<compile_context>
chip_gen: v7x
topology: tpu7x:2x2x1
jax: 0.10.2.dev20260603
libtpu: 0.0.44.dev20260713+nightly
codegen_flags: <defaults>
</compile_context>

<pallas_src>
import dataclasses
import functools

import jax
import jax.numpy as jnp
from jax import lax
from jax.experimental import pallas as pl
from jax.experimental.pallas import tpu as pltpu
from jax.experimental.pallas import tpu_sc as plsc

NC = 2
NS = 16
NW = NC * NS
LANES = 16
CHUNK = 128


def _sc_aggregate(x, src, dst, w):
    n, d = x.shape
    e = w.shape[0]
    assert e % CHUNK == 0
    nchunks = e // CHUNK
    zrows = 80
    nblocks = n // zrows
    nslice = d // LANES

    mesh = plsc.VectorSubcoreMesh(core_axis_name="c", subcore_axis_name="s")
    cp = pltpu.CompilerParams()
    if "needs_layout_passes" in pltpu.CompilerParams.__dataclass_fields__:
        cp = dataclasses.replace(cp, needs_layout_passes=False)

    @functools.partial(
        pl.kernel,
        mesh=mesh,
        compiler_params=cp,
        out_type=jax.ShapeDtypeStruct((NC, n, d), jnp.float32),
        scratch_types=[
            pltpu.VMEM((CHUNK,), jnp.int32),
            pltpu.VMEM((CHUNK,), jnp.int32),
            pltpu.VMEM((CHUNK,), jnp.float32),
            pltpu.VMEM((CHUNK, d), jnp.float32),
            pltpu.VMEM((zrows, d), jnp.float32),
            pltpu.VMEM_SHARED((n, d), jnp.float32),
            pltpu.SemaphoreType.DMA,
        ],
    )
    def agg(x_hbm, src_hbm, dst_hbm, w_hbm, out_hbm,
            sidx, didx, wv, rows, zbuf, acc, sem):
        cid = lax.axis_index("c")
        sid = lax.axis_index("s")
        wid = sid * NC + cid

        def zrow(r, _):
            for f in range(nslice):
                zbuf.at[r, pl.ds(f * LANES, LANES)][...] = (
                    jnp.zeros((LANES,), jnp.float32))
            return 0
        lax.fori_loop(0, zrows, zrow, 0)
        nb = (nblocks - sid + NS - 1) // NS

        def zcopy(t, _):
            off = pl.multiple_of((sid + NS * t) * zrows, zrows)
            pltpu.sync_copy(zbuf, acc.at[pl.ds(off, zrows)])
            return 0
        lax.fori_loop(0, nb, zcopy, 0)
        plsc.subcore_barrier()

        nj = (nchunks - wid + NW - 1) // NW

        def chunk_body(j, _):
            base = pl.multiple_of((wid + NW * j) * CHUNK, CHUNK)
            pltpu.sync_copy(src_hbm.at[pl.ds(base, CHUNK)], sidx)
            pltpu.sync_copy(dst_hbm.at[pl.ds(base, CHUNK)], didx)
            pltpu.sync_copy(w_hbm.at[pl.ds(base, CHUNK)], wv)
            pltpu.async_copy(x_hbm.at[sidx], rows, sem).wait()

            def edge_body(r, _):
                bidx = jnp.full((LANES,), r, jnp.int32)
                b16 = plsc.load_gather(wv, [bidx])
                for f in range(nslice):
                    sl = rows.at[r, pl.ds(f * LANES, LANES)]
                    sl[...] = sl[...] * b16
                return 0
            lax.fori_loop(0, CHUNK, edge_body, 0)

            pltpu.sync_copy(rows, acc.at[didx], add=True)
            return 0
        lax.fori_loop(0, nj, chunk_body, 0)

        plsc.subcore_barrier()

        def ecopy(t, _):
            off = pl.multiple_of((sid + NS * t) * zrows, zrows)
            pltpu.sync_copy(acc.at[pl.ds(off, zrows)],
                            out_hbm.at[cid].at[pl.ds(off, zrows)])
            return 0
        lax.fori_loop(0, nb, ecopy, 0)

    return agg(x, src, dst, w)


def _tc_combine(partials, W, b2):
    nc, n, d = partials.shape
    dout = W.shape[1]
    bm = 1000

    def mm(p_ref, w_ref, b_ref, o_ref):
        a = p_ref[0] + p_ref[1]
        o_ref[...] = (
            jnp.dot(a, w_ref[...], preferred_element_type=jnp.float32)
            + b_ref[...])

    return pl.pallas_call(
        mm,
        grid=(n // bm,),
        in_specs=[
            pl.BlockSpec((nc, bm, d), lambda i: (0, i, 0)),
            pl.BlockSpec((d, dout), lambda i: (0, 0)),
            pl.BlockSpec((1, dout), lambda i: (0, 0)),
        ],
        out_specs=pl.BlockSpec((bm, dout), lambda i: (i, 0)),
        out_shape=jax.ShapeDtypeStruct((n, dout), jnp.float32),
    )(partials, W, b2)


def kernel(input, edge_index, edge_weight, W, b):
    src = edge_index[1].astype(jnp.int32)
    dst = edge_index[0].astype(jnp.int32)
    ew = edge_weight.astype(jnp.float32)
    partials = _sc_aggregate(input, src, dst, ew)
    return _tc_combine(partials, W, b.reshape(1, -1))

# --- scband reference (transcript-rebuilt; emitter-appended) ---
"""Pipeline reference for scband-graph-convolution-56530359550260 (READ-ONLY COPY).

The authoritative reference and input builder live on the scoring server;
editing this copy changes nothing except your own understanding.
"""

import jax, jax.numpy as jnp
import numpy as np

N_NODES = 10000
N_EDGES = 320000
D_IN = 128
D_OUT = 128

def setup_inputs(seed: int = 0) -> dict:
    key = jax.random.key(seed)
    k1, k2, k3, k4, k5 = jax.random.split(key, 5)
    x = jax.random.normal(k1, (N_NODES, D_IN), dtype=jnp.float32)
    edge_index = jax.random.randint(k2, (2, N_EDGES), 0, N_NODES, dtype=jnp.int64)
    edge_weight = jax.random.uniform(k3, (N_EDGES,), dtype=jnp.float32)
    # learned parameters (glorot-uniform kernel, zero bias)
    limit = float(np.sqrt(6.0 / (D_IN + D_OUT)))
    W = jax.random.uniform(k4, (D_IN, D_OUT), dtype=jnp.float32, minval=-limit, maxval=limit)
    b = jnp.zeros((D_OUT,), dtype=jnp.float32)
    return {"input": x, "edge_index": edge_index, "edge_weight": edge_weight, "W": W, "b": b}

def reference(input, edge_index, edge_weight, W, b):
    # support = input @ W  (dense matmul)
    support = jnp.matmul(input, W)
    # output = sparse(adj) @ support, adj given in COO form (row=dst, col=src)
    src = edge_index[1]
    dst = edge_index[0]
    gathered = jnp.take(support, src, axis=0) * edge_weight[:, None]
    output = jax.ops.segment_sum(gathered, dst, num_segments=input.shape[0])
    return output + b

if __name__ == "__main__":
    import jax
    _d = setup_inputs()
    print(jax.jit(kernel)(*tuple(_d.values())))

</pallas_src>

<mosaic_0001>
#map = affine_map<(d0, d1) -> (0, 0)>
#map1 = affine_map<(d0, d1) -> (0)>
#map2 = affine_map<(d0, d1) -> (0, 0, 0)>
module attributes {stable_mosaic.version = 14 : i64} {
  func.func @agg(%arg0: i32, %arg1: i32, %arg2: memref<10000x128xf32, #tpu.memory_space<hbm>>, %arg3: memref<320000xi32, #tpu.memory_space<hbm>>, %arg4: memref<320000xi32, #tpu.memory_space<hbm>>, %arg5: memref<320000xf32, #tpu.memory_space<hbm>>, %arg6: memref<2x10000x128xf32, #tpu.memory_space<hbm>>, %arg7: memref<128xi32, #tpu.memory_space<vmem>>, %arg8: memref<128xi32, #tpu.memory_space<vmem>>, %arg9: memref<128xf32, #tpu.memory_space<vmem>>, %arg10: memref<128x128xf32, #tpu.memory_space<vmem>>, %arg11: memref<80x128xf32, #tpu.memory_space<vmem>>, %arg12: memref<10000x128xf32, #tpu.memory_space<vmem_shared>>, %arg13: memref<!tpu.dma_semaphore, #tpu.memory_space<semaphore_mem>>) attributes {dimension_semantics = [#tpu.dimension_semantics<core_parallel>, #tpu.dimension_semantics<subcore_parallel>], iteration_bounds = array<i64: 2, 16>, scalar_prefetch = 0 : i64, scratch_operands = 7 : i64, tpu.core_type = #tpu.core_type<sc_vector_subcore>, window_params = [{transform_indices = #map}, {transform_indices = #map1}, {transform_indices = #map1}, {transform_indices = #map1}, {transform_indices = #map2}]} {
    %mul3A = arith.constant 2 : i32
    %mul3A_0 = arith.muli %arg1, %mul3A : i32
    %add3A = arith.addi %mul3A_0, %arg0 : i32
    %scan3A = arith.constant 0 : i32
    %scan3A_1 = arith.constant 0 : i32
    %scan3A_2 = arith.constant 80 : i32
    %scan3A_3 = arith.addi %scan3A_1, %scan3A_2 : i32
    %scan3A_4 = arith.constant 1 : i32
    %scan3A_5 = scf.for %scan3A_95 = %scan3A_1 to %scan3A_3 step %scan3A_4 iter_args(%scan3A_96 = %scan3A) -> (i32)  : i32 {
      %broadcast_in_dim3A = arith.constant 0.000000e+00 : f32
      %broadcast_in_dim3A_97 = vector.broadcast %broadcast_in_dim3A : f32 to vector<16xf32>
      %swap3A = arith.index_cast %scan3A_95 : i32 to index
      %swap3A_98 = arith.constant 0 : index
      %swap3A_99 = tpu.vector_load %arg11[%swap3A, %swap3A_98] {strides = array<i32>} : memref<80x128xf32, #tpu.memory_space<vmem>>, vector<16xf32>,
      tpu.vector_store %arg11[%swap3A, %swap3A_98], %broadcast_in_dim3A_97 {strides = array<i32>} : memref<80x128xf32, #tpu.memory_space<vmem>>, vector<16xf32>,
      %broadcast_in_dim3A_100 = arith.constant 0.000000e+00 : f32
      %broadcast_in_dim3A_101 = vector.broadcast %broadcast_in_dim3A_100 : f32 to vector<16xf32>
      %swap3A_102 = arith.index_cast %scan3A_95 : i32 to index
      %swap3A_103 = arith.constant 16 : index
      %swap3A_104 = tpu.vector_load %arg11[%swap3A_102, %swap3A_103] {strides = array<i32>} : memref<80x128xf32, #tpu.memory_space<vmem>>, vector<16xf32>,
      tpu.vector_store %arg11[%swap3A_102, %swap3A_103], %broadcast_in_dim3A_101 {strides = array<i32>} : memref<80x128xf32, #tpu.memory_space<vmem>>, vector<16xf32>,
      %broadcast_in_dim3A_105 = arith.constant 0.000000e+00 : f32
      %broadcast_in_dim3A_106 = vector.broadcast %broadcast_in_dim3A_105 : f32 to vector<16xf32>
      %swap3A_107 = arith.index_cast %scan3A_95 : i32 to index
      %swap3A_108 = arith.constant 32 : index
      %swap3A_109 = tpu.vector_load %arg11[%swap3A_107, %swap3A_108] {strides = array<i32>} : memref<80x128xf32, #tpu.memory_space<vmem>>, vector<16xf32>,
      tpu.vector_store %arg11[%swap3A_107, %swap3A_108], %broadcast_in_dim3A_106 {strides = array<i32>} : memref<80x128xf32, #tpu.memory_space<vmem>>, vector<16xf32>,
      %broadcast_in_dim3A_110 = arith.constant 0.000000e+00 : f32
      %broadcast_in_dim3A_111 = vector.broadcast %broadcast_in_dim3A_110 : f32 to vector<16xf32>
      %swap3A_112 = arith.index_cast %scan3A_95 : i32 to index
      %swap3A_113 = arith.constant 48 : index
      %swap3A_114 = tpu.vector_load %arg11[%swap3A_112, %swap3A_113] {strides = array<i32>} : memref<80x128xf32, #tpu.memory_space<vmem>>, vector<16xf32>,
      tpu.vector_store %arg11[%swap3A_112, %swap3A_113], %broadcast_in_dim3A_111 {strides = array<i32>} : memref<80x128xf32, #tpu.memory_space<vmem>>, vector<16xf32>,
      %broadcast_in_dim3A_115 = arith.constant 0.000000e+00 : f32
      %broadcast_in_dim3A_116 = vector.broadcast %broadcast_in_dim3A_115 : f32 to vector<16xf32>
      %swap3A_117 = arith.index_cast %scan3A_95 : i32 to index
      %swap3A_118 = arith.constant 64 : index
      %swap3A_119 = tpu.vector_load %arg11[%swap3A_117, %swap3A_118] {strides = array<i32>} : memref<80x128xf32, #tpu.memory_space<vmem>>, vector<16xf32>,
      tpu.vector_store %arg11[%swap3A_117, %swap3A_118], %broadcast_in_dim3A_116 {strides = array<i32>} : memref<80x128xf32, #tpu.memory_space<vmem>>, vector<16xf32>,
      %broadcast_in_dim3A_120 = arith.constant 0.000000e+00 : f32
      %broadcast_in_dim3A_121 = vector.broadcast %broadcast_in_dim3A_120 : f32 to vector<16xf32>
      %swap3A_122 = arith.index_cast %scan3A_95 : i32 to index
      %swap3A_123 = arith.constant 80 : index
      %swap3A_124 = tpu.vector_load %arg11[%swap3A_122, %swap3A_123] {strides = array<i32>} : memref<80x128xf32, #tpu.memory_space<vmem>>, vector<16xf32>,
      tpu.vector_store %arg11[%swap3A_122, %swap3A_123], %broadcast_in_dim3A_121 {strides = array<i32>} : memref<80x128xf32, #tpu.memory_space<vmem>>, vector<16xf32>,
      %broadcast_in_dim3A_125 = arith.constant 0.000000e+00 : f32
      %broadcast_in_dim3A_126 = vector.broadcast %broadcast_in_dim3A_125 : f32 to vector<16xf32>
      %swap3A_127 = arith.index_cast %scan3A_95 : i32 to index
      %swap3A_128 = arith.constant 96 : index
      %swap3A_129 = tpu.vector_load %arg11[%swap3A_127, %swap3A_128] {strides = array<i32>} : memref<80x128xf32, #tpu.memory_space<vmem>>, vector<16xf32>,
      tpu.vector_store %arg11[%swap3A_127, %swap3A_128], %broadcast_in_dim3A_126 {strides = array<i32>} : memref<80x128xf32, #tpu.memory_space<vmem>>, vector<16xf32>,
      %broadcast_in_dim3A_130 = arith.constant 0.000000e+00 : f32
      %broadcast_in_dim3A_131 = vector.broadcast %broadcast_in_dim3A_130 : f32 to vector<16xf32>
      %swap3A_132 = arith.index_cast %scan3A_95 : i32 to index
      %swap3A_133 = arith.constant 112 : index
      %swap3A_134 = tpu.vector_load %arg11[%swap3A_132, %swap3A_133] {strides = array<i32>} : memref<80x128xf32, #tpu.memory_space<vmem>>, vector<16xf32>,
      tpu.vector_store %arg11[%swap3A_132, %swap3A_133], %broadcast_in_dim3A_131 {strides = array<i32>} : memref<80x128xf32, #tpu.memory_space<vmem>>, vector<16xf32>,
      %scan3A_135 = arith.constant 0 : i32
      scf.yield %scan3A_135 : i32
    }
    %scan3A_6 = arith.constant 80 : i32
    %sub3A = arith.constant 125 : i32
    %sub3A_7 = arith.subi %sub3A, %arg1 : i32
    %add3A_8 = arith.constant 16 : i32
    %add3A_9 = arith.addi %sub3A_7, %add3A_8 : i32
    %sub3A_10 = arith.constant 1 : i32
    %sub3A_11 = arith.subi %add3A_9, %sub3A_10 : i32
    %jit3A = arith.constant 16 : i32
    %div3A = arith.divsi %sub3A_11, %jit3A : i32
    %sign3A = arith.constant 0 : i32
    %sign3A_12 = arith.cmpi sgt, %sub3A_11, %sign3A : i32
    %sign3A_13 = arith.extui %sign3A_12 : i1 to i32
    %sign3A_14 = arith.constant 0 : i32
    %sign3A_15 = arith.cmpi slt, %sub3A_11, %sign3A_14 : i32
    %sign3A_16 = arith.extui %sign3A_15 : i1 to i32
    %sign3A_17 = arith.subi %sign3A_13, %sign3A_16 : i32
    %sign3A_18 = arith.constant 0 : i32
    %sign3A_19 = arith.cmpi sgt, %jit3A, %sign3A_18 : i32
    %sign3A_20 = arith.extui %sign3A_19 : i1 to i32
    %sign3A_21 = arith.constant 0 : i32
    %sign3A_22 = arith.cmpi slt, %jit3A, %sign3A_21 : i32
    %sign3A_23 = arith.extui %sign3A_22 : i1 to i32
    %sign3A_24 = arith.subi %sign3A_20, %sign3A_23 : i32
    %ne3A = arith.cmpi ne, %sign3A_17, %sign3A_24 : i32
    %rem3A = arith.remsi %sub3A_11, %jit3A : i32
    %ne3A_25 = arith.constant 0 : i32
    %ne3A_26 = arith.cmpi ne, %rem3A, %ne3A_25 : i32
    %and3A = arith.andi %ne3A, %ne3A_26 : i1
    %sub3A_27 = arith.constant 1 : i32
    %sub3A_28 = arith.subi %div3A, %sub3A_27 : i32
    %select_n3A = arith.select %and3A, %sub3A_28, %div3A : i32
    %while3A = arith.constant 0 : i32
    %while3A_29 = arith.constant 0 : i32
    %while3A_30 = arith.subi %select_n3A, %while3A : i32
    %while3A_31 = arith.addi %while3A, %while3A_30 : i32
    %while3A_32 = arith.constant 1 : i32
    %while3A_33 = arith.divsi %while3A_30, %while3A_32 : i32
    %while3A_34 = arith.muli %while3A_33, %while3A_32 : i32
    %while3A_35 = arith.addi %while3A, %while3A_34 : i32
    %while3A_36 = arith.constant 1 : i32
    %while3A_37 = scf.for %while3A_95 = %while3A to %while3A_35 step %while3A_36 iter_args(%while3A_96 = %while3A_29) -> (i32)  : i32 {
      %mul3A_97 = arith.constant 16 : i32
      %mul3A_98 = arith.muli %mul3A_97, %while3A_95 : i32
      %add3A_99 = arith.addi %arg1, %mul3A_98 : i32
      %mul3A_100 = arith.constant 80 : i32
      %mul3A_101 = arith.muli %add3A_99, %mul3A_100 : i32
      %multiple_of3A = tpu.assume_multiple %mul3A_101, 80 : i32
      "tpu.region"() ({
        %run_scoped3A = tpu.sem_alloc : memref<!tpu.dma_semaphore, #tpu.memory_space<semaphore_mem>>
        %dma_start3A = arith.constant 0 : i32
        %dma_start3A_103 = tpu.memref_slice %arg12[%multiple_of3A, %dma_start3A] : memref<10000x128xf32, #tpu.memory_space<vmem_shared>> -> memref<80x128xf32, #tpu.memory_space<vmem_shared>>
        %dma_start3A_104 = arith.constant 0 : i32
        %dma_start3A_105 = tpu.memref_slice %arg12[%multiple_of3A, %dma_start3A_104] : memref<10000x128xf32, #tpu.memory_space<vmem_shared>> -> memref<80x128xf32, #tpu.memory_space<vmem_shared>>
        tpu.enqueue_dma source(%arg11 : memref<80x128xf32, #tpu.memory_space<vmem>>) target(%dma_start3A_105 : memref<80x128xf32, #tpu.memory_space<vmem_shared>>) target_semaphore(%run_scoped3A : memref<!tpu.dma_semaphore, #tpu.memory_space<semaphore_mem>>)
        %dma_wait3A = arith.constant 0 : i32
        %dma_wait3A_106 = tpu.memref_slice %arg12[%multiple_of3A, %dma_wait3A] : memref<10000x128xf32, #tpu.memory_space<vmem_shared>> -> memref<80x128xf32, #tpu.memory_space<vmem_shared>>
        %dma_wait3A_107 = arith.constant 0 : i32
        %dma_wait3A_108 = tpu.memref_slice %arg12[%multiple_of3A, %dma_wait3A_107] : memref<10000x128xf32, #tpu.memory_space<vmem_shared>> -> memref<80x128xf32, #tpu.memory_space<vmem_shared>>
        tpu.wait_dma2 semaphore(%run_scoped3A : memref<!tpu.dma_semaphore, #tpu.memory_space<semaphore_mem>>) src(%arg11 : memref<80x128xf32, #tpu.memory_space<vmem>>) dst(%dma_wait3A_108 : memref<80x128xf32, #tpu.memory_space<vmem_shared>>)
        tpu.yield
      }) : () -> ()
      %while3A_102 = arith.constant 0 : i32
      scf.yield %while3A_102 : i32
    }
    %while3A_38 = arith.constant 1 : i32
    %while3A_39 = scf.for %while3A_95 = %while3A_35 to %while3A_31 step %while3A_38 iter_args(%while3A_96 = %while3A_37) -> (i32)  : i32 {
      %mul3A_97 = arith.constant 16 : i32
      %mul3A_98 = arith.muli %mul3A_97, %while3A_95 : i32
      %add3A_99 = arith.addi %arg1, %mul3A_98 : i32
      %mul3A_100 = arith.constant 80 : i32
      %mul3A_101 = arith.muli %add3A_99, %mul3A_100 : i32
      %multiple_of3A = tpu.assume_multiple %mul3A_101, 80 : i32
      "tpu.region"() ({
        %run_scoped3A = tpu.sem_alloc : memref<!tpu.dma_semaphore, #tpu.memory_space<semaphore_mem>>
        %dma_start3A = arith.constant 0 : i32
        %dma_start3A_103 = tpu.memref_slice %arg12[%multiple_of3A, %dma_start3A] : memref<10000x128xf32, #tpu.memory_space<vmem_shared>> -> memref<80x128xf32, #tpu.memory_space<vmem_shared>>
        %dma_start3A_104 = arith.constant 0 : i32
        %dma_start3A_105 = tpu.memref_slice %arg12[%multiple_of3A, %dma_start3A_104] : memref<10000x128xf32, #tpu.memory_space<vmem_shared>> -> memref<80x128xf32, #tpu.memory_space<vmem_shared>>
        tpu.enqueue_dma source(%arg11 : memref<80x128xf32, #tpu.memory_space<vmem>>) target(%dma_start3A_105 : memref<80x128xf32, #tpu.memory_space<vmem_shared>>) target_semaphore(%run_scoped3A : memref<!tpu.dma_semaphore, #tpu.memory_space<semaphore_mem>>)
        %dma_wait3A = arith.constant 0 : i32
        %dma_wait3A_106 = tpu.memref_slice %arg12[%multiple_of3A, %dma_wait3A] : memref<10000x128xf32, #tpu.memory_space<vmem_shared>> -> memref<80x128xf32, #tpu.memory_space<vmem_shared>>
        %dma_wait3A_107 = arith.constant 0 : i32
        %dma_wait3A_108 = tpu.memref_slice %arg12[%multiple_of3A, %dma_wait3A_107] : memref<10000x128xf32, #tpu.memory_space<vmem_shared>> -> memref<80x128xf32, #tpu.memory_space<vmem_shared>>
        tpu.wait_dma2 semaphore(%run_scoped3A : memref<!tpu.dma_semaphore, #tpu.memory_space<semaphore_mem>>) src(%arg11 : memref<80x128xf32, #tpu.memory_space<vmem>>) dst(%dma_wait3A_108 : memref<80x128xf32, #tpu.memory_space<vmem_shared>>)
        tpu.yield
      }) : () -> ()
      %while3A_102 = arith.constant 0 : i32
      scf.yield %while3A_102 : i32
    }
    %barrier3A = arith.constant 0 : index
    tpu.barrier barrier_id(%barrier3A)
    %sub3A_40 = arith.constant 2500 : i32
    %sub3A_41 = arith.subi %sub3A_40, %add3A : i32
    %add3A_42 = arith.constant 32 : i32
    %add3A_43 = arith.addi %sub3A_41, %add3A_42 : i32
    %sub3A_44 = arith.constant 1 : i32
    %sub3A_45 = arith.subi %add3A_43, %sub3A_44 : i32
    %jit3A_46 = arith.constant 32 : i32
    %div3A_47 = arith.divsi %sub3A_45, %jit3A_46 : i32
    %sign3A_48 = arith.constant 0 : i32
    %sign3A_49 = arith.cmpi sgt, %sub3A_45, %sign3A_48 : i32
    %sign3A_50 = arith.extui %sign3A_49 : i1 to i32
    %sign3A_51 = arith.constant 0 : i32
    %sign3A_52 = arith.cmpi slt, %sub3A_45, %sign3A_51 : i32
    %sign3A_53 = arith.extui %sign3A_52 : i1 to i32
    %sign3A_54 = arith.subi %sign3A_50, %sign3A_53 : i32
    %sign3A_55 = arith.constant 0 : i32
    %sign3A_56 = arith.cmpi sgt, %jit3A_46, %sign3A_55 : i32
    %sign3A_57 = arith.extui %sign3A_56 : i1 to i32
    %sign3A_58 = arith.constant 0 : i32
    %sign3A_59 = arith.cmpi slt, %jit3A_46, %sign3A_58 : i32
    %sign3A_60 = arith.extui %sign3A_59 : i1 to i32
    %sign3A_61 = arith.subi %sign3A_57, %sign3A_60 : i32
    %ne3A_62 = arith.cmpi ne, %sign3A_54, %sign3A_61 : i32
    %rem3A_63 = arith.remsi %sub3A_45, %jit3A_46 : i32
    %ne3A_64 = arith.constant 0 : i32
    %ne3A_65 = arith.cmpi ne, %rem3A_63, %ne3A_64 : i32
    %and3A_66 = arith.andi %ne3A_62, %ne3A_65 : i1
    %sub3A_67 = arith.constant 1 : i32
    %sub3A_68 = arith.subi %div3A_47, %sub3A_67 : i32
    %select_n3A_69 = arith.select %and3A_66, %sub3A_68, %div3A_47 : i32
    %while3A_70 = arith.constant 0 : i32
    %while3A_71 = arith.constant 0 : i32
    %while3A_72 = arith.subi %select_n3A_69, %while3A_70 : i32
    %while3A_73 = arith.addi %while3A_70, %while3A_72 : i32
    %while3A_74 = arith.constant 1 : i32
    %while3A_75 = arith.divsi %while3A_72, %while3A_74 : i32
    %while3A_76 = arith.muli %while3A_75, %while3A_74 : i32
    %while3A_77 = arith.addi %while3A_70, %while3A_76 : i32
    %while3A_78 = arith.constant 1 : i32
    %while3A_79 = scf.for %while3A_95 = %while3A_70 to %while3A_77 step %while3A_78 iter_args(%while3A_96 = %while3A_71) -> (i32)  : i32 {
      %mul3A_97 = arith.constant 32 : i32
      %mul3A_98 = arith.muli %mul3A_97, %while3A_95 : i32
      %add3A_99 = arith.addi %add3A, %mul3A_98 : i32
      %mul3A_100 = arith.constant 128 : i32
      %mul3A_101 = arith.muli %add3A_99, %mul3A_100 : i32
      %multiple_of3A = tpu.assume_multiple %mul3A_101, 128 : i32
      "tpu.region"() ({
        %run_scoped3A = tpu.sem_alloc : memref<!tpu.dma_semaphore, #tpu.memory_space<semaphore_mem>>
        %dma_start3A_114 = tpu.memref_slice %arg3[%multiple_of3A] : memref<320000xi32, #tpu.memory_space<hbm>> -> memref<128xi32, #tpu.memory_space<hbm>>
        %dma_start3A_115 = tpu.memref_slice %arg3[%multiple_of3A] : memref<320000xi32, #tpu.memory_space<hbm>> -> memref<128xi32, #tpu.memory_space<hbm>>
        tpu.enqueue_dma source(%dma_start3A_115 : memref<128xi32, #tpu.memory_space<hbm>>) target(%arg7 : memref<128xi32, #tpu.memory_space<vmem>>) target_semaphore(%run_scoped3A : memref<!tpu.dma_semaphore, #tpu.memory_space<semaphore_mem>>)
        %dma_wait3A_116 = tpu.memref_slice %arg3[%multiple_of3A] : memref<320000xi32, #tpu.memory_space<hbm>> -> memref<128xi32, #tpu.memory_space<hbm>>
        %dma_wait3A_117 = tpu.memref_slice %arg3[%multiple_of3A] : memref<320000xi32, #tpu.memory_space<hbm>> -> memref<128xi32, #tpu.memory_space<hbm>>
        tpu.wait_dma2 semaphore(%run_scoped3A : memref<!tpu.dma_semaphore, #tpu.memory_space<semaphore_mem>>) src(%dma_wait3A_117 : memref<128xi32, #tpu.memory_space<hbm>>) dst(%arg7 : memref<128xi32, #tpu.memory_space<vmem>>)
        tpu.yield
      }) : () -> ()
      "tpu.region"() ({
        %run_scoped3A = tpu.sem_alloc : memref<!tpu.dma_semaphore, #tpu.memory_space<semaphore_mem>>
        %dma_start3A_114 = tpu.memref_slice %arg4[%multiple_of3A] : memref<320000xi32, #tpu.memory_space<hbm>> -> memref<128xi32, #tpu.memory_space<hbm>>
        %dma_start3A_115 = tpu.memref_slice %arg4[%multiple_of3A] : memref<320000xi32, #tpu.memory_space<hbm>> -> memref<128xi32, #tpu.memory_space<hbm>>
        tpu.enqueue_dma source(%dma_start3A_115 : memref<128xi32, #tpu.memory_space<hbm>>) target(%arg8 : memref<128xi32, #tpu.memory_space<vmem>>) target_semaphore(%run_scoped3A : memref<!tpu.dma_semaphore, #tpu.memory_space<semaphore_mem>>)
        %dma_wait3A_116 = tpu.memref_slice %arg4[%multiple_of3A] : memref<320000xi32, #tpu.memory_space<hbm>> -> memref<128xi32, #tpu.memory_space<hbm>>
        %dma_wait3A_117 = tpu.memref_slice %arg4[%multiple_of3A] : memref<320000xi32, #tpu.memory_space<hbm>> -> memref<128xi32, #tpu.memory_space<hbm>>
        tpu.wait_dma2 semaphore(%run_scoped3A : memref<!tpu.dma_semaphore, #tpu.memory_space<semaphore_mem>>) src(%dma_wait3A_117 : memref<128xi32, #tpu.memory_space<hbm>>) dst(%arg8 : memref<128xi32, #tpu.memory_space<vmem>>)
        tpu.yield
      }) : () -> ()
      "tpu.region"() ({
        %run_scoped3A = tpu.sem_alloc : memref<!tpu.dma_semaphore, #tpu.memory_space<semaphore_mem>>
        %dma_start3A_114 = tpu.memref_slice %arg5[%multiple_of3A] : memref<320000xf32, #tpu.memory_space<hbm>> -> memref<128xf32, #tpu.memory_space<hbm>>
        %dma_start3A_115 = tpu.memref_slice %arg5[%multiple_of3A] : memref<320000xf32, #tpu.memory_space<hbm>> -> memref<128xf32, #tpu.memory_space<hbm>>
        tpu.enqueue_dma source(%dma_start3A_115 : memref<128xf32, #tpu.memory_space<hbm>>) target(%arg9 : memref<128xf32, #tpu.memory_space<vmem>>) target_semaphore(%run_scoped3A : memref<!tpu.dma_semaphore, #tpu.memory_space<semaphore_mem>>)
        %dma_wait3A_116 = tpu.memref_slice %arg5[%multiple_of3A] : memref<320000xf32, #tpu.memory_space<hbm>> -> memref<128xf32, #tpu.memory_space<hbm>>
        %dma_wait3A_117 = tpu.memref_slice %arg5[%multiple_of3A] : memref<320000xf32, #tpu.memory_space<hbm>> -> memref<128xf32, #tpu.memory_space<hbm>>
        tpu.wait_dma2 semaphore(%run_scoped3A : memref<!tpu.dma_semaphore, #tpu.memory_space<semaphore_mem>>) src(%dma_wait3A_117 : memref<128xf32, #tpu.memory_space<hbm>>) dst(%arg9 : memref<128xf32, #tpu.memory_space<vmem>>)
        tpu.yield
      }) : () -> ()
      %dma_start3A = arith.constant 0 : i32
      %dma_start3A_102 = arith.constant 0 : i32
      %dma_start3A_103 = tpu.memref_slice %arg2[%dma_start3A, %dma_start3A_102] : memref<10000x128xf32, #tpu.memory_space<hbm>> -> memref<10000x128xf32, #tpu.memory_space<hbm>>
      tpu.enqueue_indirect_dma source(%dma_start3A_103 : memref<10000x128xf32, #tpu.memory_space<hbm>>) target(%arg10 : memref<128x128xf32, #tpu.memory_space<vmem>>) offsets(%arg7 : memref<128xi32, #tpu.memory_space<vmem>>) semaphore(%arg13 : memref<!tpu.dma_semaphore, #tpu.memory_space<semaphore_mem>>)
      %dma_wait3A = arith.constant 0 : i32
      %dma_wait3A_104 = arith.constant 0 : i32
      %dma_wait3A_105 = tpu.memref_slice %arg2[%dma_wait3A, %dma_wait3A_104] : memref<10000x128xf32, #tpu.memory_space<hbm>> -> memref<10000x128xf32, #tpu.memory_space<hbm>>
      tpu.wait_indirect_dma semaphore(%arg13 : memref<!tpu.dma_semaphore, #tpu.memory_space<semaphore_mem>>) src(%dma_wait3A_105 : memref<10000x128xf32, #tpu.memory_space<hbm>>) dst(%arg10 : memref<128x128xf32, #tpu.memory_space<vmem>>)
      %scan3A_106 = arith.constant 0 : i32
      %scan3A_107 = arith.constant 0 : i32
      %scan3A_108 = arith.constant 128 : i32
      %scan3A_109 = arith.addi %scan3A_107, %scan3A_108 : i32
      %scan3A_110 = arith.constant 1 : i32
      %scan3A_111 = scf.for %scan3A_114 = %scan3A_107 to %scan3A_109 step %scan3A_110 iter_args(%scan3A_115 = %scan3A_106) -> (i32)  : i32 {
        %broadcast_in_dim3A = vector.broadcast %scan3A_114 : i32 to vector<16xi32>
        %gather3A = tpu.vector_load_idx %arg9[%broadcast_in_dim3A] : memref<128xf32, #tpu.memory_space<vmem>>[vector<16xi32>], vector<16xf32>,
        %get3A = arith.index_cast %scan3A_114 : i32 to index
        %get3A_116 = arith.constant 0 : index
        %get3A_117 = tpu.vector_load %arg10[%get3A, %get3A_116] {strides = array<i32>} : memref<128x128xf32, #tpu.memory_space<vmem>>, vector<16xf32>,
        %mul3A_118 = arith.mulf %get3A_117, %gather3A : vector<16xf32>
        %swap3A = arith.index_cast %scan3A_114 : i32 to index
        %swap3A_119 = arith.constant 0 : index
        %swap3A_120 = tpu.vector_load %arg10[%swap3A, %swap3A_119] {strides = array<i32>} : memref<128x128xf32, #tpu.memory_space<vmem>>, vector<16xf32>,
        tpu.vector_store %arg10[%swap3A, %swap3A_119], %mul3A_118 {strides = array<i32>} : memref<128x128xf32, #tpu.memory_space<vmem>>, vector<16xf32>,
        %get3A_121 = arith.index_cast %scan3A_114 : i32 to index
        %get3A_122 = arith.constant 16 : index
        %get3A_123 = tpu.vector_load %arg10[%get3A_121, %get3A_122] {strides = array<i32>} : memref<128x128xf32, #tpu.memory_space<vmem>>, vector<16xf32>,
        %mul3A_124 = arith.mulf %get3A_123, %gather3A : vector<16xf32>
        %swap3A_125 = arith.index_cast %scan3A_114 : i32 to index
        %swap3A_126 = arith.constant 16 : index
        %swap3A_127 = tpu.vector_load %arg10[%swap3A_125, %swap3A_126] {strides = array<i32>} : memref<128x128xf32, #tpu.memory_space<vmem>>, vector<16xf32>,
        tpu.vector_store %arg10[%swap3A_125, %swap3A_126], %mul3A_124 {strides = array<i32>} : memref<128x128xf32, #tpu.memory_space<vmem>>, vector<16xf32>,
        %get3A_128 = arith.index_cast %scan3A_114 : i32 to index
        %get3A_129 = arith.constant 32 : index
        %get3A_130 = tpu.vector_load %arg10[%get3A_128, %get3A_129] {strides = array<i32>} : memref<128x128xf32, #tpu.memory_space<vmem>>, vector<16xf32>,
        %mul3A_131 = arith.mulf %get3A_130, %gather3A : vector<16xf32>
        %swap3A_132 = arith.index_cast %scan3A_114 : i32 to index
        %swap3A_133 = arith.constant 32 : index
        %swap3A_134 = tpu.vector_load %arg10[%swap3A_132, %swap3A_133] {strides = array<i32>} : memref<128x128xf32, #tpu.memory_space<vmem>>, vector<16xf32>,
        tpu.vector_store %arg10[%swap3A_132, %swap3A_133], %mul3A_131 {strides = array<i32>} : memref<128x128xf32, #tpu.memory_space<vmem>>, vector<16xf32>,
        %get3A_135 = arith.index_cast %scan3A_114 : i32 to index
        %get3A_136 = arith.constant 48 : index
        %get3A_137 = tpu.vector_load %arg10[%get3A_135, %get3A_136] {strides = array<i32>} : memref<128x128xf32, #tpu.memory_space<vmem>>, vector<16xf32>,
        %mul3A_138 = arith.mulf %get3A_137, %gather3A : vector<16xf32>
        %swap3A_139 = arith.index_cast %scan3A_114 : i32 to index
        %swap3A_140 = arith.constant 48 : index
        %swap3A_141 = tpu.vector_load %arg10[%swap3A_139, %swap3A_140] {strides = array<i32>} : memref<128x128xf32, #tpu.memory_space<vmem>>, vector<16xf32>,
        tpu.vector_store %arg10[%swap3A_139, %swap3A_140], %mul3A_138 {strides = array<i32>} : memref<128x128xf32, #tpu.memory_space<vmem>>, vector<16xf32>,
        %get3A_142 = arith.index_cast %scan3A_114 : i32 to index
        %get3A_143 = arith.constant 64 : index
        %get3A_144 = tpu.vector_load %arg10[%get3A_142, %get3A_143] {strides = array<i32>} : memref<128x128xf32, #tpu.memory_space<vmem>>, vector<16xf32>,
        %mul3A_145 = arith.mulf %get3A_144, %gather3A : vector<16xf32>
        %swap3A_146 = arith.index_cast %scan3A_114 : i32 to index
        %swap3A_147 = arith.constant 64 : index
        %swap3A_148 = tpu.vector_load %arg10[%swap3A_146, %swap3A_147] {strides = array<i32>} : memref<128x128xf32, #tpu.memory_space<vmem>>, vector<16xf32>,
        tpu.vector_store %arg10[%swap3A_146, %swap3A_147], %mul3A_145 {strides = array<i32>} : memref<128x128xf32, #tpu.memory_space<vmem>>, vector<16xf32>,
        %get3A_149 = arith.index_cast %scan3A_114 : i32 to index
        %get3A_150 = arith.constant 80 : index
        %get3A_151 = tpu.vector_load %arg10[%get3A_149, %get3A_150] {strides = array<i32>} : memref<128x128xf32, #tpu.memory_space<vmem>>, vector<16xf32>,
        %mul3A_152 = arith.mulf %get3A_151, %gather3A : vector<16xf32>
        %swap3A_153 = arith.index_cast %scan3A_114 : i32 to index
        %swap3A_154 = arith.constant 80 : index
        %swap3A_155 = tpu.vector_load %arg10[%swap3A_153, %swap3A_154] {strides = array<i32>} : memref<128x128xf32, #tpu.memory_space<vmem>>, vector<16xf32>,
        tpu.vector_store %arg10[%swap3A_153, %swap3A_154], %mul3A_152 {strides = array<i32>} : memref<128x128xf32, #tpu.memory_space<vmem>>, vector<16xf32>,
        %get3A_156 = arith.index_cast %scan3A_114 : i32 to index
        %get3A_157 = arith.constant 96 : index
        %get3A_158 = tpu.vector_load %arg10[%get3A_156, %get3A_157] {strides = array<i32>} : memref<128x128xf32, #tpu.memory_space<vmem>>, vector<16xf32>,
        %mul3A_159 = arith.mulf %get3A_158, %gather3A : vector<16xf32>
        %swap3A_160 = arith.index_cast %scan3A_114 : i32 to index
        %swap3A_161 = arith.constant 96 : index
        %swap3A_162 = tpu.vector_load %arg10[%swap3A_160, %swap3A_161] {strides = array<i32>} : memref<128x128xf32, #tpu.memory_space<vmem>>, vector<16xf32>,
        tpu.vector_store %arg10[%swap3A_160, %swap3A_161], %mul3A_159 {strides = array<i32>} : memref<128x128xf32, #tpu.memory_space<vmem>>, vector<16xf32>,
        %get3A_163 = arith.index_cast %scan3A_114 : i32 to index
        %get3A_164 = arith.constant 112 : index
        %get3A_165 = tpu.vector_load %arg10[%get3A_163, %get3A_164] {strides = array<i32>} : memref<128x128xf32, #tpu.memory_space<vmem>>, vector<16xf32>,
        %mul3A_166 = arith.mulf %get3A_165, %gather3A : vector<16xf32>
        %swap3A_167 = arith.index_cast %scan3A_114 : i32 to index
        %swap3A_168 = arith.constant 112 : index
        %swap3A_169 = tpu.vector_load %arg10[%swap3A_167, %swap3A_168] {strides = array<i32>} : memref<128x128xf32, #tpu.memory_space<vmem>>, vector<16xf32>,
        tpu.vector_store %arg10[%swap3A_167, %swap3A_168], %mul3A_166 {strides = array<i32>} : memref<128x128xf32, #tpu.memory_space<vmem>>, vector<16xf32>,
        %scan3A_170 = arith.constant 0 : i32
        scf.yield %scan3A_170 : i32
      }
      %scan3A_112 = arith.constant 128 : i32
      "tpu.region"() ({
        %run_scoped3A = tpu.sem_alloc : memref<!tpu.dma_semaphore, #tpu.memory_space<semaphore_mem>>
        %dma_start3A_114 = arith.constant 0 : i32
        %dma_start3A_115 = arith.constant 0 : i32
        %dma_start3A_116 = tpu.memref_slice %arg12[%dma_start3A_114, %dma_start3A_115] : memref<10000x128xf32, #tpu.memory_space<vmem_shared>> -> memref<10000x128xf32, #tpu.memory_space<vmem_shared>>
        tpu.enqueue_indirect_dma source(%arg10 : memref<128x128xf32, #tpu.memory_space<vmem>>) target(%dma_start3A_116 : memref<10000x128xf32, #tpu.memory_space<vmem_shared>>) offsets(%arg8 : memref<128xi32, #tpu.memory_space<vmem>>) semaphore(%run_scoped3A : memref<!tpu.dma_semaphore, #tpu.memory_space<semaphore_mem>>) {add = true}
        %dma_wait3A_117 = arith.constant 0 : i32
        %dma_wait3A_118 = arith.constant 0 : i32
        %dma_wait3A_119 = tpu.memref_slice %arg12[%dma_wait3A_117, %dma_wait3A_118] : memref<10000x128xf32, #tpu.memory_space<vmem_shared>> -> memref<10000x128xf32, #tpu.memory_space<vmem_shared>>
        tpu.wait_indirect_dma semaphore(%run_scoped3A : memref<!tpu.dma_semaphore, #tpu.memory_space<semaphore_mem>>) src(%arg10 : memref<128x128xf32, #tpu.memory_space<vmem>>) dst(%dma_wait3A_119 : memref<10000x128xf32, #tpu.memory_space<vmem_shared>>)
        tpu.yield
      }) : () -> ()
      %while3A_113 = arith.constant 0 : i32
      scf.yield %while3A_113 : i32
    }
    %while3A_80 = arith.constant 1 : i32
    %while3A_81 = scf.for %while3A_95 = %while3A_77 to %while3A_73 step %while3A_80 iter_args(%while3A_96 = %while3A_79) -> (i32)  : i32 {
      %mul3A_97 = arith.constant 32 : i32
      %mul3A_98 = arith.muli %mul3A_97, %while3A_95 : i32
      %add3A_99 = arith.addi %add3A, %mul3A_98 : i32
      %mul3A_100 = arith.constant 128 : i32
      %mul3A_101 = arith.muli %add3A_99, %mul3A_100 : i32
      %multiple_of3A = tpu.assume_multiple %mul3A_101, 128 : i32
      "tpu.region"() ({
        %run_scoped3A = tpu.sem_alloc : memref<!tpu.dma_semaphore, #tpu.memory_space<semaphore_mem>>
        %dma_start3A_114 = tpu.memref_slice %arg3[%multiple_of3A] : memref<320000xi32, #tpu.memory_space<hbm>> -> memref<128xi32, #tpu.memory_space<hbm>>
        %dma_start3A_115 = tpu.memref_slice %arg3[%multiple_of3A] : memref<320000xi32, #tpu.memory_space<hbm>> -> memref<128xi32, #tpu.memory_space<hbm>>
        tpu.enqueue_dma source(%dma_start3A_115 : memref<128xi32, #tpu.memory_space<hbm>>) target(%arg7 : memref<128xi32, #tpu.memory_space<vmem>>) target_semaphore(%run_scoped3A : memref<!tpu.dma_semaphore, #tpu.memory_space<semaphore_mem>>)
        %dma_wait3A_116 = tpu.memref_slice %arg3[%multiple_of3A] : memref<320000xi32, #tpu.memory_space<hbm>> -> memref<128xi32, #tpu.memory_space<hbm>>
        %dma_wait3A_117 = tpu.memref_slice %arg3[%multiple_of3A] : memref<320000xi32, #tpu.memory_space<hbm>> -> memref<128xi32, #tpu.memory_space<hbm>>
        tpu.wait_dma2 semaphore(%run_scoped3A : memref<!tpu.dma_semaphore, #tpu.memory_space<semaphore_mem>>) src(%dma_wait3A_117 : memref<128xi32, #tpu.memory_space<hbm>>) dst(%arg7 : memref<128xi32, #tpu.memory_space<vmem>>)
        tpu.yield
      }) : () -> ()
      "tpu.region"() ({
        %run_scoped3A = tpu.sem_alloc : memref<!tpu.dma_semaphore, #tpu.memory_space<semaphore_mem>>
        %dma_start3A_114 = tpu.memref_slice %arg4[%multiple_of3A] : memref<320000xi32, #tpu.memory_space<hbm>> -> memref<128xi32, #tpu.memory_space<hbm>>
        %dma_start3A_115 = tpu.memref_slice %arg4[%multiple_of3A] : memref<320000xi32, #tpu.memory_space<hbm>> -> memref<128xi32, #tpu.memory_space<hbm>>
        tpu.enqueue_dma source(%dma_start3A_115 : memref<128xi32, #tpu.memory_space<hbm>>) target(%arg8 : memref<128xi32, #tpu.memory_space<vmem>>) target_semaphore(%run_scoped3A : memref<!tpu.dma_semaphore, #tpu.memory_space<semaphore_mem>>)
        %dma_wait3A_116 = tpu.memref_slice %arg4[%multiple_of3A] : memref<320000xi32, #tpu.memory_space<hbm>> -> memref<128xi32, #tpu.memory_space<hbm>>
        %dma_wait3A_117 = tpu.memref_slice %arg4[%multiple_of3A] : memref<320000xi32, #tpu.memory_space<hbm>> -> memref<128xi32, #tpu.memory_space<hbm>>
        tpu.wait_dma2 semaphore(%run_scoped3A : memref<!tpu.dma_semaphore, #tpu.memory_space<semaphore_mem>>) src(%dma_wait3A_117 : memref<128xi32, #tpu.memory_space<hbm>>) dst(%arg8 : memref<128xi32, #tpu.memory_space<vmem>>)
        tpu.yield
      }) : () -> ()
      "tpu.region"() ({
        %run_scoped3A = tpu.sem_alloc : memref<!tpu.dma_semaphore, #tpu.memory_space<semaphore_mem>>
        %dma_start3A_114 = tpu.memref_slice %arg5[%multiple_of3A] : memref<320000xf32, #tpu.memory_space<hbm>> -> memref<128xf32, #tpu.memory_space<hbm>>
        %dma_start3A_115 = tpu.memref_slice %arg5[%multiple_of3A] : memref<320000xf32, #tpu.memory_space<hbm>> -> memref<128xf32, #tpu.memory_space<hbm>>
        tpu.enqueue_dma source(%dma_start3A_115 : memref<128xf32, #tpu.memory_space<hbm>>) target(%arg9 : memref<128xf32, #tpu.memory_space<vmem>>) target_semaphore(%run_scoped3A : memref<!tpu.dma_semaphore, #tpu.memory_space<semaphore_mem>>)
        %dma_wait3A_116 = tpu.memref_slice %arg5[%multiple_of3A] : memref<320000xf32, #tpu.memory_space<hbm>> -> memref<128xf32, #tpu.memory_space<hbm>>
        %dma_wait3A_117 = tpu.memref_slice %arg5[%multiple_of3A] : memref<320000xf32, #tpu.memory_space<hbm>> -> memref<128xf32, #tpu.memory_space<hbm>>
        tpu.wait_dma2 semaphore(%run_scoped3A : memref<!tpu.dma_semaphore, #tpu.memory_space<semaphore_mem>>) src(%dma_wait3A_117 : memref<128xf32, #tpu.memory_space<hbm>>) dst(%arg9 : memref<128xf32, #tpu.memory_space<vmem>>)
        tpu.yield
      }) : () -> ()
      %dma_start3A = arith.constant 0 : i32
      %dma_start3A_102 = arith.constant 0 : i32
      %dma_start3A_103 = tpu.memref_slice %arg2[%dma_start3A, %dma_start3A_102] : memref<10000x128xf32, #tpu.memory_space<hbm>> -> memref<10000x128xf32, #tpu.memory_space<hbm>>
      tpu.enqueue_indirect_dma source(%dma_start3A_103 : memref<10000x128xf32, #tpu.memory_space<hbm>>) target(%arg10 : memref<128x128xf32, #tpu.memory_space<vmem>>) offsets(%arg7 : memref<128xi32, #tpu.memory_space<vmem>>) semaphore(%arg13 : memref<!tpu.dma_semaphore, #tpu.memory_space<semaphore_mem>>)
      %dma_wait3A = arith.constant 0 : i32
      %dma_wait3A_104 = arith.constant 0 : i32
      %dma_wait3A_105 = tpu.memref_slice %arg2[%dma_wait3A, %dma_wait3A_104] : memref<10000x128xf32, #tpu.memory_space<hbm>> -> memref<10000x128xf32, #tpu.memory_space<hbm>>
      tpu.wait_indirect_dma semaphore(%arg13 : memref<!tpu.dma_semaphore, #tpu.memory_space<semaphore_mem>>) src(%dma_wait3A_105 : memref<10000x128xf32, #tpu.memory_space<hbm>>) dst(%arg10 : memref<128x128xf32, #tpu.memory_space<vmem>>)
      %scan3A_106 = arith.constant 0 : i32
      %scan3A_107 = arith.constant 0 : i32
      %scan3A_108 = arith.constant 128 : i32
      %scan3A_109 = arith.addi %scan3A_107, %scan3A_108 : i32
      %scan3A_110 = arith.constant 1 : i32
      %scan3A_111 = scf.for %scan3A_114 = %scan3A_107 to %scan3A_109 step %scan3A_110 iter_args(%scan3A_115 = %scan3A_106) -> (i32)  : i32 {
        %broadcast_in_dim3A = vector.broadcast %scan3A_114 : i32 to vector<16xi32>
        %gather3A = tpu.vector_load_idx %arg9[%broadcast_in_dim3A] : memref<128xf32, #tpu.memory_space<vmem>>[vector<16xi32>], vector<16xf32>,
        %get3A = arith.index_cast %scan3A_114 : i32 to index
        %get3A_116 = arith.constant 0 : index
        %get3A_117 = tpu.vector_load %arg10[%get3A, %get3A_116] {strides = array<i32>} : memref<128x128xf32, #tpu.memory_space<vmem>>, vector<16xf32>,
        %mul3A_118 = arith.mulf %get3A_117, %gather3A : vector<16xf32>
        %swap3A = arith.index_cast %scan3A_114 : i32 to index
        %swap3A_119 = arith.constant 0 : index
        %swap3A_120 = tpu.vector_load %arg10[%swap3A, %swap3A_119] {strides = array<i32>} : memref<128x128xf32, #tpu.memory_space<vmem>>, vector<16xf32>,
        tpu.vector_store %arg10[%swap3A, %swap3A_119], %mul3A_118 {strides = array<i32>} : memref<128x128xf32, #tpu.memory_space<vmem>>, vector<16xf32>,
        %get3A_121 = arith.index_cast %scan3A_114 : i32 to index
        %get3A_122 = arith.constant 16 : index
        %get3A_123 = tpu.vector_load %arg10[%get3A_121, %get3A_122] {strides = array<i32>} : memref<128x128xf32, #tpu.memory_space<vmem>>, vector<16xf32>,
        %mul3A_124 = arith.mulf %get3A_123, %gather3A : vector<16xf32>
        %swap3A_125 = arith.index_cast %scan3A_114 : i32 to index
        %swap3A_126 = arith.constant 16 : index
        %swap3A_127 = tpu.vector_load %arg10[%swap3A_125, %swap3A_126] {strides = array<i32>} : memref<128x128xf32, #tpu.memory_space<vmem>>, vector<16xf32>,
        tpu.vector_store %arg10[%swap3A_125, %swap3A_126], %mul3A_124 {strides = array<i32>} : memref<128x128xf32, #tpu.memory_space<vmem>>, vector<16xf32>,
        %get3A_128 = arith.index_cast %scan3A_114 : i32 to index
        %get3A_129 = arith.constant 32 : index
        %get3A_130 = tpu.vector_load %arg10[%get3A_128, %get3A_129] {strides = array<i32>} : memref<128x128xf32, #tpu.memory_space<vmem>>, vector<16xf32>,
        %mul3A_131 = arith.mulf %get3A_130, %gather3A : vector<16xf32>
        %swap3A_132 = arith.index_cast %scan3A_114 : i32 to index
        %swap3A_133 = arith.constant 32 : index
        %swap3A_134 = tpu.vector_load %arg10[%swap3A_132, %swap3A_133] {strides = array<i32>} : memref<128x128xf32, #tpu.memory_space<vmem>>, vector<16xf32>,
        tpu.vector_store %arg10[%swap3A_132, %swap3A_133], %mul3A_131 {strides = array<i32>} : memref<128x128xf32, #tpu.memory_space<vmem>>, vector<16xf32>,
        %get3A_135 = arith.index_cast %scan3A_114 : i32 to index
        %get3A_136 = arith.constant 48 : index
        %get3A_137 = tpu.vector_load %arg10[%get3A_135, %get3A_136] {strides = array<i32>} : memref<128x128xf32, #tpu.memory_space<vmem>>, vector<16xf32>,
        %mul3A_138 = arith.mulf %get3A_137, %gather3A : vector<16xf32>
        %swap3A_139 = arith.index_cast %scan3A_114 : i32 to index
        %swap3A_140 = arith.constant 48 : index
        %swap3A_141 = tpu.vector_load %arg10[%swap3A_139, %swap3A_140] {strides = array<i32>} : memref<128x128xf32, #tpu.memory_space<vmem>>, vector<16xf32>,
        tpu.vector_store %arg10[%swap3A_139, %swap3A_140], %mul3A_138 {strides = array<i32>} : memref<128x128xf32, #tpu.memory_space<vmem>>, vector<16xf32>,
        %get3A_142 = arith.index_cast %scan3A_114 : i32 to index
        %get3A_143 = arith.constant 64 : index
        %get3A_144 = tpu.vector_load %arg10[%get3A_142, %get3A_143] {strides = array<i32>} : memref<128x128xf32, #tpu.memory_space<vmem>>, vector<16xf32>,
        %mul3A_145 = arith.mulf %get3A_144, %gather3A : vector<16xf32>
        %swap3A_146 = arith.index_cast %scan3A_114 : i32 to index
        %swap3A_147 = arith.constant 64 : index
        %swap3A_148 = tpu.vector_load %arg10[%swap3A_146, %swap3A_147] {strides = array<i32>} : memref<128x128xf32, #tpu.memory_space<vmem>>, vector<16xf32>,
        tpu.vector_store %arg10[%swap3A_146, %swap3A_147], %mul3A_145 {strides = array<i32>} : memref<128x128xf32, #tpu.memory_space<vmem>>, vector<16xf32>,
        %get3A_149 = arith.index_cast %scan3A_114 : i32 to index
        %get3A_150 = arith.constant 80 : index
        %get3A_151 = tpu.vector_load %arg10[%get3A_149, %get3A_150] {strides = array<i32>} : memref<128x128xf32, #tpu.memory_space<vmem>>, vector<16xf32>,
        %mul3A_152 = arith.mulf %get3A_151, %gather3A : vector<16xf32>
        %swap3A_153 = arith.index_cast %scan3A_114 : i32 to index
        %swap3A_154 = arith.constant 80 : index
        %swap3A_155 = tpu.vector_load %arg10[%swap3A_153, %swap3A_154] {strides = array<i32>} : memref<128x128xf32, #tpu.memory_space<vmem>>, vector<16xf32>,
        tpu.vector_store %arg10[%swap3A_153, %swap3A_154], %mul3A_152 {strides = array<i32>} : memref<128x128xf32, #tpu.memory_space<vmem>>, vector<16xf32>,
        %get3A_156 = arith.index_cast %scan3A_114 : i32 to index
        %get3A_157 = arith.constant 96 : index
        %get3A_158 = tpu.vector_load %arg10[%get3A_156, %get3A_157] {strides = array<i32>} : memref<128x128xf32, #tpu.memory_space<vmem>>, vector<16xf32>,
        %mul3A_159 = arith.mulf %get3A_158, %gather3A : vector<16xf32>
        %swap3A_160 = arith.index_cast %scan3A_114 : i32 to index
        %swap3A_161 = arith.constant 96 : index
        %swap3A_162 = tpu.vector_load %arg10[%swap3A_160, %swap3A_161] {strides = array<i32>} : memref<128x128xf32, #tpu.memory_space<vmem>>, vector<16xf32>,
        tpu.vector_store %arg10[%swap3A_160, %swap3A_161], %mul3A_159 {strides = array<i32>} : memref<128x128xf32, #tpu.memory_space<vmem>>, vector<16xf32>,
        %get3A_163 = arith.index_cast %scan3A_114 : i32 to index
        %get3A_164 = arith.constant 112 : index
        %get3A_165 = tpu.vector_load %arg10[%get3A_163, %get3A_164] {strides = array<i32>} : memref<128x128xf32, #tpu.memory_space<vmem>>, vector<16xf32>,
        %mul3A_166 = arith.mulf %get3A_165, %gather3A : vector<16xf32>
        %swap3A_167 = arith.index_cast %scan3A_114 : i32 to index
        %swap3A_168 = arith.constant 112 : index
        %swap3A_169 = tpu.vector_load %arg10[%swap3A_167, %swap3A_168] {strides = array<i32>} : memref<128x128xf32, #tpu.memory_space<vmem>>, vector<16xf32>,
        tpu.vector_store %arg10[%swap3A_167, %swap3A_168], %mul3A_166 {strides = array<i32>} : memref<128x128xf32, #tpu.memory_space<vmem>>, vector<16xf32>,
        %scan3A_170 = arith.constant 0 : i32
        scf.yield %scan3A_170 : i32
      }
      %scan3A_112 = arith.constant 128 : i32
      "tpu.region"() ({
        %run_scoped3A = tpu.sem_alloc : memref<!tpu.dma_semaphore, #tpu.memory_space<semaphore_mem>>
        %dma_start3A_114 = arith.constant 0 : i32
        %dma_start3A_115 = arith.constant 0 : i32
        %dma_start3A_116 = tpu.memref_slice %arg12[%dma_start3A_114, %dma_start3A_115] : memref<10000x128xf32, #tpu.memory_space<vmem_shared>> -> memref<10000x128xf32, #tpu.memory_space<vmem_shared>>
        tpu.enqueue_indirect_dma source(%arg10 : memref<128x128xf32, #tpu.memory_space<vmem>>) target(%dma_start3A_116 : memref<10000x128xf32, #tpu.memory_space<vmem_shared>>) offsets(%arg8 : memref<128xi32, #tpu.memory_space<vmem>>) semaphore(%run_scoped3A : memref<!tpu.dma_semaphore, #tpu.memory_space<semaphore_mem>>) {add = true}
        %dma_wait3A_117 = arith.constant 0 : i32
        %dma_wait3A_118 = arith.constant 0 : i32
        %dma_wait3A_119 = tpu.memref_slice %arg12[%dma_wait3A_117, %dma_wait3A_118] : memref<10000x128xf32, #tpu.memory_space<vmem_shared>> -> memref<10000x128xf32, #tpu.memory_space<vmem_shared>>
        tpu.wait_indirect_dma semaphore(%run_scoped3A : memref<!tpu.dma_semaphore, #tpu.memory_space<semaphore_mem>>) src(%arg10 : memref<128x128xf32, #tpu.memory_space<vmem>>) dst(%dma_wait3A_119 : memref<10000x128xf32, #tpu.memory_space<vmem_shared>>)
        tpu.yield
      }) : () -> ()
      %while3A_113 = arith.constant 0 : i32
      scf.yield %while3A_113 : i32
    }
    %barrier3A_82 = arith.constant 0 : index
    tpu.barrier barrier_id(%barrier3A_82)
    %while3A_83 = arith.constant 0 : i32
    %while3A_84 = arith.constant 0 : i32
    %while3A_85 = arith.subi %select_n3A, %while3A_83 : i32
    %while3A_86 = arith.addi %while3A_83, %while3A_85 : i32
    %while3A_87 = arith.constant 1 : i32
    %while3A_88 = arith.divsi %while3A_85, %while3A_87 : i32
    %while3A_89 = arith.muli %while3A_88, %while3A_87 : i32
    %while3A_90 = arith.addi %while3A_83, %while3A_89 : i32
    %while3A_91 = arith.constant 1 : i32
    %while3A_92 = scf.for %while3A_95 = %while3A_83 to %while3A_90 step %while3A_91 iter_args(%while3A_96 = %while3A_84) -> (i32)  : i32 {
      %mul3A_97 = arith.constant 16 : i32
      %mul3A_98 = arith.muli %mul3A_97, %while3A_95 : i32
      %add3A_99 = arith.addi %arg1, %mul3A_98 : i32
      %mul3A_100 = arith.constant 80 : i32
      %mul3A_101 = arith.muli %add3A_99, %mul3A_100 : i32
      %multiple_of3A = tpu.assume_multiple %mul3A_101, 80 : i32
      "tpu.region"() ({
        %run_scoped3A = tpu.sem_alloc : memref<!tpu.dma_semaphore, #tpu.memory_space<semaphore_mem>>
        %dma_start3A = arith.constant 0 : i32
        %dma_start3A_103 = arith.constant 0 : i32
        %dma_start3A_104 = tpu.memref_slice %arg6[%arg0, %dma_start3A, %dma_start3A_103] : memref<2x10000x128xf32, #tpu.memory_space<hbm>> -> memref<1x10000x128xf32, #tpu.memory_space<hbm>>
        %dma_start3A_105 = tpu.memref_squeeze %dma_start3A_104 : memref<1x10000x128xf32, #tpu.memory_space<hbm>> -> memref<10000x128xf32, #tpu.memory_space<hbm>>
        %dma_start3A_106 = arith.constant 0 : i32
        %dma_start3A_107 = tpu.memref_slice %dma_start3A_105[%multiple_of3A, %dma_start3A_106] : memref<10000x128xf32, #tpu.memory_space<hbm>> -> memref<80x128xf32, #tpu.memory_space<hbm>>
        %dma_start3A_108 = arith.constant 0 : i32
        %dma_start3A_109 = tpu.memref_slice %arg12[%multiple_of3A, %dma_start3A_108] : memref<10000x128xf32, #tpu.memory_space<vmem_shared>> -> memref<80x128xf32, #tpu.memory_space<vmem_shared>>
        tpu.enqueue_dma source(%dma_start3A_109 : memref<80x128xf32, #tpu.memory_space<vmem_shared>>) target(%dma_start3A_107 : memref<80x128xf32, #tpu.memory_space<hbm>>) target_semaphore(%run_scoped3A : memref<!tpu.dma_semaphore, #tpu.memory_space<semaphore_mem>>)
        %dma_wait3A = arith.constant 0 : i32
        %dma_wait3A_110 = arith.constant 0 : i32
        %dma_wait3A_111 = tpu.memref_slice %arg6[%arg0, %dma_wait3A, %dma_wait3A_110] : memref<2x10000x128xf32, #tpu.memory_space<hbm>> -> memref<1x10000x128xf32, #tpu.memory_space<hbm>>
        %dma_wait3A_112 = tpu.memref_squeeze %dma_wait3A_111 : memref<1x10000x128xf32, #tpu.memory_space<hbm>> -> memref<10000x128xf32, #tpu.memory_space<hbm>>
        %dma_wait3A_113 = arith.constant 0 : i32
        %dma_wait3A_114 = tpu.memref_slice %dma_wait3A_112[%multiple_of3A, %dma_wait3A_113] : memref<10000x128xf32, #tpu.memory_space<hbm>> -> memref<80x128xf32, #tpu.memory_space<hbm>>
        %dma_wait3A_115 = arith.constant 0 : i32
        %dma_wait3A_116 = tpu.memref_slice %arg12[%multiple_of3A, %dma_wait3A_115] : memref<10000x128xf32, #tpu.memory_space<vmem_shared>> -> memref<80x128xf32, #tpu.memory_space<vmem_shared>>
        tpu.wait_dma2 semaphore(%run_scoped3A : memref<!tpu.dma_semaphore, #tpu.memory_space<semaphore_mem>>) src(%dma_wait3A_116 : memref<80x128xf32, #tpu.memory_space<vmem_shared>>) dst(%dma_wait3A_114 : memref<80x128xf32, #tpu.memory_space<hbm>>)
        tpu.yield
      }) : () -> ()
      %while3A_102 = arith.constant 0 : i32
      scf.yield %while3A_102 : i32
    }
    %while3A_93 = arith.constant 1 : i32
    %while3A_94 = scf.for %while3A_95 = %while3A_90 to %while3A_86 step %while3A_93 iter_args(%while3A_96 = %while3A_92) -> (i32)  : i32 {
      %mul3A_97 = arith.constant 16 : i32
      %mul3A_98 = arith.muli %mul3A_97, %while3A_95 : i32
      %add3A_99 = arith.addi %arg1, %mul3A_98 : i32
      %mul3A_100 = arith.constant 80 : i32
      %mul3A_101 = arith.muli %add3A_99, %mul3A_100 : i32
      %multiple_of3A = tpu.assume_multiple %mul3A_101, 80 : i32
      "tpu.region"() ({
        %run_scoped3A = tpu.sem_alloc : memref<!tpu.dma_semaphore, #tpu.memory_space<semaphore_mem>>
        %dma_start3A = arith.constant 0 : i32
        %dma_start3A_103 = arith.constant 0 : i32
        %dma_start3A_104 = tpu.memref_slice %arg6[%arg0, %dma_start3A, %dma_start3A_103] : memref<2x10000x128xf32, #tpu.memory_space<hbm>> -> memref<1x10000x128xf32, #tpu.memory_space<hbm>>
        %dma_start3A_105 = tpu.memref_squeeze %dma_start3A_104 : memref<1x10000x128xf32, #tpu.memory_space<hbm>> -> memref<10000x128xf32, #tpu.memory_space<hbm>>
        %dma_start3A_106 = arith.constant 0 : i32
        %dma_start3A_107 = tpu.memref_slice %dma_start3A_105[%multiple_of3A, %dma_start3A_106] : memref<10000x128xf32, #tpu.memory_space<hbm>> -> memref<80x128xf32, #tpu.memory_space<hbm>>
        %dma_start3A_108 = arith.constant 0 : i32
        %dma_start3A_109 = tpu.memref_slice %arg12[%multiple_of3A, %dma_start3A_108] : memref<10000x128xf32, #tpu.memory_space<vmem_shared>> -> memref<80x128xf32, #tpu.memory_space<vmem_shared>>
        tpu.enqueue_dma source(%dma_start3A_109 : memref<80x128xf32, #tpu.memory_space<vmem_shared>>) target(%dma_start3A_107 : memref<80x128xf32, #tpu.memory_space<hbm>>) target_semaphore(%run_scoped3A : memref<!tpu.dma_semaphore, #tpu.memory_space<semaphore_mem>>)
        %dma_wait3A = arith.constant 0 : i32
        %dma_wait3A_110 = arith.constant 0 : i32
        %dma_wait3A_111 = tpu.memref_slice %arg6[%arg0, %dma_wait3A, %dma_wait3A_110] : memref<2x10000x128xf32, #tpu.memory_space<hbm>> -> memref<1x10000x128xf32, #tpu.memory_space<hbm>>
        %dma_wait3A_112 = tpu.memref_squeeze %dma_wait3A_111 : memref<1x10000x128xf32, #tpu.memory_space<hbm>> -> memref<10000x128xf32, #tpu.memory_space<hbm>>
        %dma_wait3A_113 = arith.constant 0 : i32
        %dma_wait3A_114 = tpu.memref_slice %dma_wait3A_112[%multiple_of3A, %dma_wait3A_113] : memref<10000x128xf32, #tpu.memory_space<hbm>> -> memref<80x128xf32, #tpu.memory_space<hbm>>
        %dma_wait3A_115 = arith.constant 0 : i32
        %dma_wait3A_116 = tpu.memref_slice %arg12[%multiple_of3A, %dma_wait3A_115] : memref<10000x128xf32, #tpu.memory_space<vmem_shared>> -> memref<80x128xf32, #tpu.memory_space<vmem_shared>>
        tpu.wait_dma2 semaphore(%run_scoped3A : memref<!tpu.dma_semaphore, #tpu.memory_space<semaphore_mem>>) src(%dma_wait3A_116 : memref<80x128xf32, #tpu.memory_space<vmem_shared>>) dst(%dma_wait3A_114 : memref<80x128xf32, #tpu.memory_space<hbm>>)
        tpu.yield
      }) : () -> ()
      %while3A_102 = arith.constant 0 : i32
      scf.yield %while3A_102 : i32
    }
    return
  }
}

module attributes {stable_mosaic.version = 14 : i64} {
  func.func @mm(%arg0: i32, %arg1: memref<2x1000x128xf32, #tpu.memory_space<vmem>>, %arg2: memref<128x128xf32, #tpu.memory_space<vmem>>, %arg3: memref<1x128xf32, #tpu.memory_space<vmem>>, %arg4: memref<1000x128xf32, #tpu.memory_space<vmem>>) attributes {dimension_semantics = [#tpu.dimension_semantics<arbitrary>], iteration_bounds = array<i64: 10>, scalar_prefetch = 0 : i64, scratch_operands = 0 : i64, tpu.core_type = #tpu.core_type<tc>, window_params = [{transform_indices = @transform_0, window_bounds = array<i64: 2, 1000, 128>}, {pipeline_mode = #tpu.pipeline_mode<synchronous>, transform_indices = @transform_1, window_bounds = array<i64: 128, 128>}, {pipeline_mode = #tpu.pipeline_mode<synchronous>, transform_indices = @transform_2, window_bounds = array<i64: 1, 128>}, {transform_indices = @transform_3, window_bounds = array<i64: 1000, 128>}]} {
    %get3A = arith.constant 0 : index
    %get3A_0 = arith.constant 0 : index
    %get3A_1 = arith.constant 0 : index
    %get3A_2 = vector.load %arg1[%get3A, %get3A_0, %get3A_1] : memref<2x1000x128xf32, #tpu.memory_space<vmem>>, vector<1x1000x128xf32>
    %get3A_3 = vector.shape_cast %get3A_2 : vector<1x1000x128xf32> to vector<1000x128xf32>
    %get3A_4 = arith.constant 1 : index
    %get3A_5 = arith.constant 0 : index
    %get3A_6 = arith.constant 0 : index
    %get3A_7 = vector.load %arg1[%get3A_4, %get3A_5, %get3A_6] : memref<2x1000x128xf32, #tpu.memory_space<vmem>>, vector<1x1000x128xf32>
    %get3A_8 = vector.shape_cast %get3A_7 : vector<1x1000x128xf32> to vector<1000x128xf32>
    %add3A = arith.addf %get3A_3, %get3A_8 : vector<1000x128xf32>
    %get3A_9 = arith.constant 0 : index
    %get3A_10 = arith.constant 0 : index
    %get3A_11 = vector.load %arg2[%get3A_9, %get3A_10] : memref<128x128xf32, #tpu.memory_space<vmem>>, vector<128x128xf32>
    %dot_general3A = arith.constant dense<0.000000e+00> : vector<1000x128xf32>
    %dot_general3A_12 = tpu.matmul %add3A, %get3A_11, %dot_general3A {dimension_numbers = #tpu.dot_dimension_numbers<[1], [0], [0], [1], [0, 0, 1, 1], [], []>, transpose_lhs_hint = false} : vector<1000x128xf32>, vector<128x128xf32>, vector<1000x128xf32> -> vector<1000x128xf32>
    %get3A_13 = arith.constant 0 : index
    %get3A_14 = arith.constant 0 : index
    %get3A_15 = vector.load %arg3[%get3A_13, %get3A_14] : memref<1x128xf32, #tpu.memory_space<vmem>>, vector<1x128xf32>
    %add3A_16 = vector.broadcast %get3A_15 : vector<1x128xf32> to vector<1000x128xf32>
    %add3A_17 = arith.addf %dot_general3A_12, %add3A_16 : vector<1000x128xf32>
    %swap3A = arith.constant 0 : index
    %swap3A_18 = arith.constant 0 : index
    %swap3A_19 = vector.load %arg4[%swap3A, %swap3A_18] : memref<1000x128xf32, #tpu.memory_space<vmem>>, vector<1000x128xf32>
    tpu.vector_store %arg4[%swap3A, %swap3A_18], %add3A_17 {strides = array<i32>} : memref<1000x128xf32, #tpu.memory_space<vmem>>, vector<1000x128xf32>,
    return
  }
  func.func @transform_0(%arg0: i32) -> (i32, i32, i32) {
    %c0_i32 = arith.constant 0 : i32
    %c0_i32_0 = arith.constant 0 : i32
    %c0_i32_1 = arith.constant 0 : i32
    return %c0_i32, %arg0, %c0_i32_0 : i32, i32, i32
  }
  func.func @transform_1(%arg0: i32) -> (i32, i32) {
    %c0_i32 = arith.constant 0 : i32
    %c0_i32_0 = arith.constant 0 : i32
    %c0_i32_1 = arith.constant 0 : i32
    return %c0_i32, %c0_i32_0 : i32, i32
  }
  func.func @transform_2(%arg0: i32) -> (i32, i32) {
    %c0_i32 = arith.constant 0 : i32
    %c0_i32_0 = arith.constant 0 : i32
    %c0_i32_1 = arith.constant 0 : i32
    return %c0_i32, %c0_i32_0 : i32, i32
  }
  func.func @transform_3(%arg0: i32) -> (i32, i32) {
    %c0_i32 = arith.constant 0 : i32
    %c0_i32_0 = arith.constant 0 : i32
    return %arg0, %c0_i32 : i32, i32
  }
}

</mosaic_0001>

<sc_bundles>
// kernel: kernel.4.cloned.1.call-start
scs
__scs_entry_jumppad:
0x0: {  	(pc) =	sbr.rel $0x88, $3  }
0x1: {  	(tag) =	ssettag $0x0;
	lr =	simm.s32 $0x1  }
0x2: {  	[smem:$0x3F9C] =	sst lr;
	_ =	strace $0xD0000000  }
0x3: {  	_ = 	snop  }
0x4: {  	_ = 	snop  }
0x5: {  	_ = 	snop  }
0x6: {  	_ = 	snop  }
0x7: {  	_ = 	snop  }
__scs_overlays_trampoline_lowered:
0x8: {  	[smem:$0x3FAB] =	sst s0  }
0x9: {  	[smem:$0x3FAC] =	sst s1  }
0xa: {  	[smem:$0x3FAD] =	sst s2  }
0xb: {  	[smem:$0x3FAE] =	sst s3  }
0xc: {  	[smem:$0x3FAF] =	sst s4  }
0xd: {  	[smem:$0x3FB0] =	sst s5  }
0xe: {  	[smem:$0x3FB1] =	sst s6  }
0xf: {  	[smem:$0x3FB2] =	sst s7  }
0x10: {  	[smem:$0x3FB3] =	sst s8  }
0x11: {  	[smem:$0x3FB4] =	sst s9;
	s0 =	simm.s32 @!p0 $0x0  }
0x12: {  	s1 =	sld [smem:$0x3F9A];
	s0 =	simm.s32 @p0 $0x1  }
0x13: {  	[smem:$0x3FB5] =	sst s0;
	s0 =	simm.s32 @!p1 $0x0  }
0x14: {  	s2 =	sld [smem:$0x3F99];
	s0 =	simm.s32 @p1 $0x1  }
0x15: {  	[smem:$0x3FB6] =	sst s0;
	s0 =	simm.s32 @!p2 $0x0  }
0x16: {  	s3 =	sld [smem:$0x3FDB];
	s0 =	simm.s32 @p2 $0x1  }
0x17: {  	s4 =	simm.s32 $0x1BF5;
	[smem:$0x3FB8] =	sst s0  }
0x18: {  	s0 =	sld [smem:$0x3F9B];
	_ =	swait.ge [sflag:s4], $0x0  }
0x19: {  	s7 =	sld [smem:$0x3F9C]  }
0x1a: {  	s8 =	sadd.s32 $0xFFFFE003, lr  }
0x1b: {  	s9 =	sadd.s32 $0xFFFFFEF7, lr;
	s5 =	simm.s32 $0xFFFFFFFF;
	p2 =	slt.u32 s8, $0xFFFFF086  }
0x1c: {  	p1 =	slt.u32 s9, $0xF7A;
	s5 =	simm.s32 @!p2 $0x0  }
0x1d: {  	s5 =	simm.s32 @p1 $0x1;
	p0 =	seq.s32 s7, s2  }
0x1e: {  	s7 =	smul.u32 @!p0 $0xF7A, s2;
	p2 =	seq.s32 @!p0 s5, $0x0  }
0x1f: {  	s9 =	smul.u32 $0xF7A, s1;
	s8 =	simm.s32 @!p0 $0x1BF5;
	p2 =	por !p2, p0  }
0x20: {  	[sflag:s8] =	ssyncset.s32 @!p0 $0xFFFFF086;
	s6 =	sadd.s32 @!p0 s3, s7;
	s7 =	simm.s32 @!p0 $0x108  }
0x21: {  	s3 =	sadd.s32 s3, s9;
	s6 =	sadd.s32 @!p0 $0x88, s6;
	s7 =	simm.s32 @p2 $0x1082  }
0x22: {  	[simem:s7], [sflag:s8] =	dma.local @!p0 [hbm:s6], $0xF7A  }
0x23: {  	s9 =	sor.u32 $0xD0000000, s2;
	s6 =	simm.s32 $0x108;
	_ =	swait.ge @!p0 [sflag:s8], $0x0  }
0x24: {  	s3 =	sadd.s32 $0x88, s3;
	s6 =	simm.s32 @!p1 $0x1082;
	[sflag:s4] =	ssyncset.s32 $0xFFFFF086  }
0x25: {  	[simem:s6], [sflag:s4] =	dma.local [hbm:s3], $0xF7A  }
0x26: {  	[smem:$0x3F9C] =	sst s1;
	(tag) =	ssettag s2;
	_ =	strace s9  }
0x27: {  	s1 =	sld [smem:$0x3FAC]  }
0x28: {  	s2 =	sld [smem:$0x3FAD]  }
0x29: {  	s4 =	sld [smem:$0x3FAF]  }
0x2a: {  	p0 =	seq.s32 s5, $0x0;
	s5 =	sld [smem:$0x3FB0]  }
0x2b: {  	s6 =	sld [smem:$0x3FB1]  }
0x2c: {  	s7 =	sld [smem:$0x3FB2]  }
0x2d: {  	s3 =	simm.s32 $0x108;
	s8 =	sld [smem:$0x3FB3]  }
0x2e: {  	s3 =	simm.s32 @!p0 $0x1082;
	s9 =	sld [smem:$0x3FB4]  }
0x2f: {  	lr =	sadd.s32 s0, s3;
	s0 =	sld [smem:$0x3FAB]  }
0x30: {  	s3 =	sld [smem:$0x3FAE]  }
0x31: {  	[smem:$0x3FB7] =	sst s10  }
0x32: {  	s10 =	sld [smem:$0x3FB5];
	_ =	sdelay $0x3  }
0x33: {  	p0 =	seq.s32 s10, $0x1;
	s10 =	sld [smem:$0x3FB7];
	_ =	sdelay $0x3  }
0x34: {  	[smem:$0x3FB7] =	sst s10  }
0x35: {  	s10 =	sld [smem:$0x3FB6];
	_ =	sdelay $0x3  }
0x36: {  	p1 =	seq.s32 s10, $0x1;
	s10 =	sld [smem:$0x3FB7];
	_ =	sdelay $0x3  }
0x37: {  	[smem:$0x3FB7] =	sst s10  }
0x38: {  	s10 =	sld [smem:$0x3FB8]  }
0x39: {  	_ = 	snop;
	(pc) =	sbr.ind lr, $3  }
0x3a: {  	_ = 	snop  }
0x3b: {  	_ = 	snop  }
0x3c: {  	p2 =	seq.s32 s10, $0x1;
	s10 =	sld [smem:$0x3FB7]  }
0x3d: {  	_ =	shalt  }
0x3e: {  	_ =	shalt  }
0x3f: {  	_ =	shalt  }
0x40: {  	_ =	shalt  }
0x41: {  	_ =	shalt  }
0x42: {  	_ =	shalt  }
0x43: {  	_ =	shalt  }
0x44: {  	_ =	shalt  }
0x45: {  	_ =	shalt  }
0x46: {  	_ =	shalt  }
0x47: {  	_ =	shalt  }
0x48: {  	_ =	shalt  }
0x49: {  	_ =	shalt  }
0x4a: {  	_ =	shalt  }
0x4b: {  	_ =	shalt  }
0x4c: {  	_ =	shalt  }
0x4d: {  	_ =	shalt  }
0x4e: {  	_ =	shalt  }
0x4f: {  	_ =	shalt  }
0x50: {  	_ =	shalt  }
0x51: {  	_ =	shalt  }
0x52: {  	_ =	shalt  }
0x53: {  	_ =	shalt  }
0x54: {  	_ =	shalt  }
0x55: {  	_ =	shalt  }
0x56: {  	_ =	shalt  }
0x57: {  	_ =	shalt  }
0x58: {  	_ =	shalt  }
0x59: {  	_ =	shalt  }
0x5a: {  	_ =	shalt  }
0x5b: {  	_ =	shalt  }
0x5c: {  	_ =	shalt  }
0x5d: {  	_ =	shalt  }
0x5e: {  	_ =	shalt  }
0x5f: {  	_ =	shalt  }
0x60: {  	_ =	shalt  }
0x61: {  	_ =	shalt  }
0x62: {  	_ =	shalt  }
0x63: {  	_ =	shalt  }
0x64: {  	_ =	shalt  }
0x65: {  	_ =	shalt  }
0x66: {  	_ =	shalt  }
0x67: {  	_ =	shalt  }
0x68: {  	_ =	shalt  }
0x69: {  	_ =	shalt  }
0x6a: {  	_ =	shalt  }
0x6b: {  	_ =	shalt  }
0x6c: {  	_ =	shalt  }
0x6d: {  	_ =	shalt  }
0x6e: {  	_ =	shalt  }
0x6f: {  	_ =	shalt  }
0x70: {  	_ =	shalt  }
0x71: {  	_ =	shalt  }
0x72: {  	_ =	shalt  }
0x73: {  	_ =	shalt  }
0x74: {  	_ =	shalt  }
0x75: {  	_ =	shalt  }
0x76: {  	_ =	shalt  }
0x77: {  	_ =	shalt  }
0x78: {  	_ =	shalt  }
0x79: {  	_ =	shalt  }
0x7a: {  	_ =	shalt  }
0x7b: {  	_ =	shalt  }
0x7c: {  	_ =	shalt  }
0x7d: {  	_ =	shalt  }
0x7e: {  	_ =	shalt  }
0x7f: {  	_ =	shalt  }
0x80: {  	_ =	shalt  }
0x81: {  	_ =	shalt  }
0x82: {  	_ =	shalt  }
0x83: {  	_ =	shalt  }
0x84: {  	_ =	shalt  }
0x85: {  	_ =	shalt  }
0x86: {  	_ =	shalt  }
0x87: {  	_ =	shalt  }
.Lfunc_end0:
.L_simem_size_0:
called_computation_lowered:
.L_overlay_start_0:
0x88: {  	s2 =	sld [smem:$0x3FD9]  }
0x89: {  	s3 =	sld [smem:$0x3FFE];
	_ =	sdelay $0x1  }
0x8a: {  	s1 =	srdreg.scid  }
0x8b: {  	s0 =	sand.u32 $0x1, s1  }
0x8c: {  	s17 =	sshll.u32 s0, $0xA;
	s2 =	sadd.s32 s3, s2  }
0x8d: {  	s2 =	sadd.s32 s2, s17  }
0x8e: {  	[smem:$0x3FC3] =	sst s2  }
0x8f: {  	_ = 	snop  }
0x90: {  	s2 =	sld [smem:$0x3FC9]  }
0x91: {  	s18 =	sld [smem:$0x3FC7]  }
0x92: {  	s4 =	sld [smem:$0x3FD0];
	(tm) =	ssettm $0x1  }
0x93: {  	s5 =	sld [smem:$0x3FFB];
	_ =	sdelay $0x3  }
0x94: {  	_ =	strace s5  }
0x95: {  	s5 =	sld [smem:$0x3FFC];
	_ =	sdelay $0x3  }
0x96: {  	_ =	strace s5  }
0x97: {  	s5 =	sld [smem:$0x3FFD];
	_ =	sdelay $0x3  }
0x98: {  	_ =	strace s5  }
0x99: {  	_ =	strace $0x8FFFFFFF  }
0x9a: {  	s19 =	sld [smem:$0x3FDB];
	_ =	sdelay $0x1  }
0x9b: {  	s6 =	simm.s32 $_scs_section_size  }
0x9c: {  	s7 =	simm.s32 $_size__tile_overlayer_lowered;
	s8 =	simm.s32 $_tile_overlayer_lowered  }
0x9d: {  	s22 =	simm.s32 $0x1BFF;
	s21 =	sshll.u32 s8, $0x1;
	s5 =	sadd.s32 s6, s19  }
0x9e: {  	s9 =	simm.s32 $0x0;
	s20 =	sshll.u32 s7, $0x1;
	s7 =	sadd.s32 s21, s5  }
0x9f: {  	[timem:s9], [sflag:s22] =	dma.local [hbm:s7], s20  }
0xa0: {  	_ =	swait.ge [sflag:s22], s20  }
0xa1: {  	s6 =	ssub.s32 $0x0, s20;
	[sflag:s22] =	ssyncset.done $0x0  }
0xa2: {  	[sflag:s22] =	ssyncadd.s32 s6;
	_ =	sdelay $0x1  }
0xa3: {  	s23 =	simm.s32 $0x1B8B  }
0xa4: {  	_ =	swait.ge [sflag:s23], $0x1  }
0xa5: {  	[sflag:s23] =	ssyncset.done $0x0  }
0xa6: {  	s25 =	simm.s32 $0x1B8E;
	s24 =	sld [smem:$0x3FFE];
	[sflag:s23] =	ssyncadd.s32 $0xFFFFFFFF  }
0xa7: {  	s26 =	simm.s32 $execute0_lowered;
	[smem:$0x3FD2] =	sst s25  }
0xa8: {  	s7 =	sshll.u32 s26, $0x1;
	_ =	strace $0x80000046;
	[dreg:$0x1] =	wrdreg $0xFFFFFFFF  }
0xa9: {  	s28 =	simm.s32 $_size_execute0_lowered;
	s5 =	sadd.s32 s5, s7;
	[dreg:$0x0] =	wrdreg $0x0  }
0xaa: {  	s7 =	sshll.u32 s28, $0x1;
	[dreg:$0x2] =	wrdreg s5  }
0xab: {  	[dreg:$0x3] =	wrdreg s7  }
0xac: {  	[dreg:$0x4] =	wrdreg $0xC0  }
0xad: {  	_ =	task [dreg:s9], $0x5FFFF  }
0xae: {  	[dreg:$0x1] =	wrdreg $0xFFFFFFFF  }
0xaf: {  	[dreg:$0x0] =	wrdreg $0x60  }
0xb0: {  	[dreg:$0x2] =	wrdreg s2  }
0xb1: {  	[dreg:$0x3] =	wrdreg s24  }
0xb2: {  	[dreg:$0x4] =	wrdreg s4  }
0xb3: {  	[dreg:$0x5] =	wrdreg s18  }
0xb4: {  	[dreg:$0x6] =	wrdreg $0x69800  }
0xb5: {  	[dreg:$0x7] =	wrdreg $0x9  }
0xb6: {  	_ =	task.clear_ibuf [dreg:s9], $0x8FFFF;
	_ =	strace $0x90000046  }
0xb7: {  	s29 =	simm.s32 $0x9;
	_ =	strace $0x80000048  }
0xb8: {  	_ =	swait.ge [sflag:s29], $0x1  }
0xb9: {  	[sflag:s29] =	ssyncadd.s32 $0xFFFFFFFF  }
0xba: {  	_ =	strace $0x90000048  }
0xbb: {  	_ =	sfence  }
0xbc: {  	s30 =	sld [smem:$0x0];
	_ =	sdelay $0x2  }
0xbd: {  	s31 =	sshll.u32 s1, $0xD;
	s1 =	sshrl.u32 s1, $0x2  }
0xbe: {  	s3 =	sand.u32 $0x4000, s31;
	s1 =	sadd.s32 s1, s30  }
0xbf: {  	s0 =	sor.u32 s3, s0;
	s1 =	sshll.u32 s1, $0x11  }
0xc0: {  	s0 =	sor.u32 s1, s0  }
0xc1: {  	s0 =	sadd.s32 $0x8F2B, s0  }
0xc2: {  	[sflag:s0] =	ssyncadd.remote.s32 $0x1  }
0xc3: {  	_ =	sfence.sel $0xFFFF  }
0xc4: {  	[dreg:$0x0] =	wrdreg $0xFFFFFFFF;
	(pc) =	sbr.abs _section_cstart, $3  }
0xc5: {  	[dreg:$0x1] =	wrdreg $0xFFFFFFFF  }
0xc6: {  	_ =	task.clear_ibuf [dreg:s9], $0x2FFFF;
	_ =	strace $0x9FFFFFFF  }
0xc7: {  	(tm) =	ssettm $0x7FFFFFFF  }
tec
execute0_lowered:
.L_overlay_start_1:
0x0: {  	(tag) =	ssettag $0x1  }
0x1: {  	s1 =	rddreg [dreg:$0x0]  }
0x2: {  	s6 =	rddreg [dreg:$0x1]  }
0x3: {  	s2 =	rddreg [dreg:$0x2]  }
0x4: {  	s3 =	rddreg [dreg:$0x3]  }
0x5: {  	s4 =	rddreg [dreg:$0x4]  }
0x6: {  	s7 =	srdreg.scid;
	s0 =	rddreg [dreg:$0x5];
	s5 =	simm.s32 $0x0  }
0x7: {  	s15 =	simm.s32 $0x80;
	s16 =	simm.s32 $0x100;
	s8 =	sand.u32 $0x1, s7  }
0x8: {  	s17 =	simm.s32 $0x180;
	s18 =	simm.s32 $0x1;
	s9 =	smul.u32 $0x27100, s8  }
0x9: {  	[smem:$0x7FF] =	sst s5;
	s7 =	sadd.s32 $0x200, s6;
	s10 =	ssub.s32 $0x2, s8  }
0xa: {  	s26 =	sshrl.u32 s10, $0x1;
	s11 =	sadd.s32 s9, s6;
	s6 =	stileid.u32  }
0xb: {  	_ =	strace $0x80000047;
	s12 =	ssub.s32 s10, s26;
	s28 =	sshll.u32 s6, $0x1  }
0xc: {  	s29 =	ssub.s32 $0x8C, s6;
	s14 =	smul.u32 $0xA000, s6;
	s19 =	sadd.s32 $0xA000, s11  }
0xd: {  	s11 =	smax.u32 s12, $0x1;
	s20 =	smul.u32 $0x500, s6;
	s13 =	sor.u32 s8, s28  }
0xe: {  	s8 =	sshrl.u32 s29, $0x4;
	s9 =	sshll.u32 s13, $0x7;
	s30 =	ssub.s32 $0x9E3, s13  }
0xf: {  	s31 =	sshrl.u32 s14, $0x2;
	s13 =	simm.s32 $0x4180;
	s14 =	simm.s32 $0x2  }
0x10: {  	v0 =	vimm.f32 $0.0e+00;
	s19 =	sadd.s32 s19, s20;
	s10 =	sshrl.u32 s30, $0x5;
	s12 =	sadd.s32 s31, s4  }
.LBB2_1:
0x11: {  	s20 =	simm.s32 $0x0;
	s21 =	simm.s32 $0x200  }
.LBB2_2:
0x12: {  	p0 =	sne.s32 s21, $0x9E00;
	[tilespmem:s20+$0x41F0] =	vst v0  }
0x13: {  	[tilespmem:s20+$0x4180] =	vst v0  }
0x14: {  	[tilespmem:s20+$0x4190] =	vst v0  }
.Ltmp0:
0x15: {  	[tilespmem:s20+$0x41A0] =	vst v0;
	(pc) =	sbr.rel @p0 .LBB2_2-.Ltmp0, $4  }
0x16: {  	[tilespmem:s20+$0x41B0] =	vst v0  }
0x17: {  	[tilespmem:s20+$0x41C0] =	vst v0  }
0x18: {  	[tilespmem:s20+$0x41D0] =	vst v0  }
0x19: {  	[tilespmem:s20+$0x41E0] =	vst v0;
	s20 =	sshra.s32 s21, $0x2;
	s21 =	sadd.s32 $0x200, s21  }
0x1a: {  	[tilespmem:s20+$0x41F0] =	vst v0  }
0x1b: {  	[tilespmem:s20+$0x4180] =	vst v0  }
0x1c: {  	[tilespmem:s20+$0x4190] =	vst v0  }
0x1d: {  	[tilespmem:s20+$0x41A0] =	vst v0  }
0x1e: {  	[tilespmem:s20+$0x41B0] =	vst v0  }
0x1f: {  	[tilespmem:s20+$0x41C0] =	vst v0;
	p0 =	sne.s32 s8, $0x1  }
.Ltmp1:
0x20: {  	[tilespmem:s20+$0x41D0] =	vst v0;
	(pc) =	sbr.rel @!p0 .LBB2_5-.Ltmp1, $4  }
0x21: {  	[tilespmem:s20+$0x41E0] =	vst v0  }
0x22: {  	[spmem:s12] =	stream.linear.scatter [tilespmem:s13], [sflag:$0x2], $0x2800, $0x38;
	[tilespmem:$0x1A200] =	vst v63  }
0x23: {  	_ =	swait.ge [sflag:s14], $0x2800  }
0x24: {  	s20 =	sadd.s32 $0xFFFFFFFF, s8;
	s21 =	smov.u32 s12;
	[sflag:s14] =	ssyncset.done $0x0  }
.LBB2_4:
0x25: {  	p1 =	sne.s32 s20, $0x1;
	[sflag:s14] =	ssyncadd.s32 $0xFFFFD800;
	s21 =	sadd.s32 $0x28000, s21  }
.Ltmp2:
0x26: {  	s20 =	sadd.s32 $0xFFFFFFFF, s20;
	(pc) =	sbr.rel @p1 .LBB2_4-.Ltmp2, $4  }
0x27: {  	_ = 	snop  }
0x28: {  	[spmem:s21] =	stream.linear.scatter [tilespmem:s13], [sflag:$0x2], $0x2800, $0x38;
	[tilespmem:$0x1A200] =	vst v63  }
0x29: {  	_ =	swait.ge [sflag:s14], $0x2800  }
0x2a: {  	[sflag:s14] =	ssyncset.done $0x0  }
.LBB2_5:
0x2b: {  	[sflag:s14] =	ssyncadd.s32 $0xFFFFD800  }
0x2c: {  	s20 =	simm.s32 $0x0;
	s21 =	simm.s32 $0x0;
	[bflag:$0x0] =	sbarrier.arrive $0xFFFF  }
.LBB2_6:
0x2d: {  	s22 =	sshll.u32 s21, $0xC  }
0x2e: {  	s22 =	sor.u32 s9, s22  }
0x2f: {  	s22 =	sshrl.u32 s22, $0x3  }
0x30: {  	s23 =	sadd.s32 s7, s22  }
0x31: {  	[tilespmem:s20], [sflag:$0x2] =	stream.linear.gather [hbm4b:s23+s20], $0x80, $0x38;
	[tilespmem:$0x1A200] =	vst v63  }
0x32: {  	_ =	swait.ge [sflag:s14], $0x80  }
0x33: {  	[sflag:s14] =	ssyncset.done $0x0  }
0x34: {  	s31 =	sadd.s32 s2, s22;
	[sflag:s14] =	ssyncadd.s32 $0xFFFFFF80  }
0x35: {  	[tilespmem:s15], [sflag:$0x2] =	stream.linear.gather [hbm4b:s31+s20], $0x80, $0x38;
	[tilespmem:$0x1A200] =	vst v63  }
0x36: {  	_ =	swait.ge [sflag:s14], $0x80  }
0x37: {  	[sflag:s14] =	ssyncset.done $0x0  }
0x38: {  	s22 =	sadd.s32 s3, s22;
	[sflag:s14] =	ssyncadd.s32 $0xFFFFFF80  }
0x39: {  	[tilespmem:s16], [sflag:$0x2] =	stream.linear.gather [hbm4b:s22+s20], $0x80, $0x38;
	[tilespmem:$0x1A200] =	vst v63  }
0x3a: {  	_ =	swait.ge [sflag:s14], $0x80  }
0x3b: {  	[sflag:s14] =	ssyncset.done $0x0  }
0x3c: {  	[sflag:s14] =	ssyncadd.s32 $0xFFFFFF80  }
0x3d: {  	[tilespmem:s17], [sflag:$0x1] =	stream.indirect.gather [hbm4b:s1+s15], $0x80, s20, s15, $0xb8;
	[tilespmem:$0x1A200] =	vst v63  }
0x3e: {  	_ =	swait.ge [sflag:s18], $0x4000  }
0x3f: {  	v1 =	vmov s20;
	[sflag:s18] =	ssyncset.done $0x0  }
0x40: {  	s22 =	simm.s32 $0x1C0;
	[sflag:s18] =	ssyncadd.s32 $0xFFFFC000  }
0x41: {  	v5 =	vld [tilespmem:s22+$0x30]  }
0x42: {  	v8 =	vld [tilespmem:s22+$0x10]  }
0x43: {  	v6 =	vld [tilespmem:s22+$0xFFFFFFC0]  }
0x44: {  	v2 =	vld.idx.msk [tilespmem:v1+s16+$0x0], $0xffff  }
0x45: {  	v10 =	vld [tilespmem:s22+$0xFFFFFFE0]  }
0x46: {  	v1 =	vld [tilespmem:s22+$0xFFFFFFF0]  }
0x47: {  	v3 =	vld [tilespmem:s22+$0x20]  }
0x48: {  	v4 =	vld [tilespmem:s22+$0xFFFFFFD0]  }
0x49: {  	v9 =	vmul.f32 v5, v2;
	v5 =	vld [tilespmem:s22+$0x0]  }
0x4a: {  	v7 =	vmul.f32 v6, v2  }
0x4b: {  	s24 =	simm.s32 $0x1C0;
	s23 =	simm.s32 $0x1;
	v6 =	vmul.f32 v10, v2;
	v8 =	vmul.f32 v8, v2  }
.LBB2_7:
0x4c: {  	p1 =	sne.s32 s23, $0x7F  }
0x4d: {  	v4 =	vmul.f32 v4, v2;
	v3 =	vmul.f32 v3, v2;
	[tilespmem:s22+$0x30] =	vst v9;
	s24 =	sadd.s32 $0x80, s24;
	s25 =	smov.u32 s23;
	s23 =	sadd.s32 $0x1, s23  }
0x4e: {  	[tilespmem:s22+$0xFFFFFFC0] =	vst v7;
	v7 =	vmul.f32 v1, v2;
	v2 =	vmul.f32 v5, v2  }
0x4f: {  	[tilespmem:s22+$0x10] =	vst v8  }
0x50: {  	v5 =	vmov s25;
	[tilespmem:s22+$0xFFFFFFE0] =	vst v6  }
0x51: {  	v1 =	vld [tilespmem:s24+$0xFFFFFFF0];
	[tilespmem:s22+$0xFFFFFFF0] =	vst v7  }
0x52: {  	v6 =	vld [tilespmem:s24+$0x30];
	[tilespmem:s22+$0x0] =	vst v2  }
0x53: {  	v8 =	vld [tilespmem:s24+$0x10];
	[tilespmem:s22+$0x20] =	vst v3  }
0x54: {  	v7 =	vld [tilespmem:s24+$0xFFFFFFC0];
	[tilespmem:s22+$0xFFFFFFD0] =	vst v4;
	s22 =	smov.u32 s24  }
0x55: {  	v2 =	vld.idx.msk [tilespmem:v5+s16+$0x0], $0xffff  }
0x56: {  	v10 =	vld [tilespmem:s24+$0xFFFFFFE0]  }
0x57: {  	v3 =	vld [tilespmem:s24+$0x20]  }
.Ltmp3:
0x58: {  	v4 =	vld [tilespmem:s24+$0xFFFFFFD0];
	(pc) =	sbr.rel @p1 .LBB2_7-.Ltmp3, $3  }
0x59: {  	v5 =	vld [tilespmem:s24+$0x0];
	_ =	sdelay $0x1  }
0x5a: {  	v7 =	vmul.f32 v7, v2;
	v9 =	vmul.f32 v6, v2  }
0x5b: {  	v8 =	vmul.f32 v8, v2;
	v6 =	vmul.f32 v10, v2  }
0x5c: {  	[tilespmem:s22+$0x30] =	vst v9  }
0x5d: {  	[tilespmem:s22+$0xFFFFFFC0] =	vst v7  }
0x5e: {  	v1 =	vmul.f32 v1, v2;
	[tilespmem:s22+$0x10] =	vst v8  }
0x5f: {  	v3 =	vmul.f32 v3, v2;
	[tilespmem:s22+$0xFFFFFFE0] =	vst v6  }
0x60: {  	v5 =	vmul.f32 v5, v2;
	[tilespmem:s22+$0xFFFFFFF0] =	vst v1  }
0x61: {  	s21 =	sadd.s32 $0x1, s21;
	v1 =	vmul.f32 v4, v2;
	[tilespmem:s22+$0x20] =	vst v3  }
0x62: {  	p1 =	sne.s32 s21, s10;
	[tilespmem:s22+$0x0] =	vst v5  }
.Ltmp4:
0x63: {  	[tilespmem:s22+$0xFFFFFFD0] =	vst v1;
	(pc) =	sbr.rel @p1 .LBB2_6-.Ltmp4, $4  }
0x64: {  	[spmem:s4] =	stream.indirect.scatter.add.f32 [tilespmem:s17], [sflag:$0x2], $0x80, s15, s15, $0xb8;
	[tilespmem:$0x1A200] =	vst v63  }
0x65: {  	_ =	swait.ge [sflag:s14], $0x4000  }
0x66: {  	[sflag:s14] =	ssyncset.done $0x0  }
0x67: {  	[sflag:s14] =	ssyncadd.s32 $0xFFFFC000  }
.Ltmp5:
0x68: {  	(pc) =	sbr.rel @!p0 .LBB2_11-.Ltmp5, $4  }
0x69: {  	s20 =	sshll.u32 s6, $0x6;
	[bflag:$0x0] =	sbarrier.arrive $0xFFFF  }
0x6a: {  	s21 =	sshrl.u32 s12, $0x3;
	s22 =	sadd.s32 $0x5000, s19;
	s20 =	sor.u32 $0x1C02, s20  }
0x6b: {  	[hbm:s19], [sflag:s20] =	dma.local [spmem:s21], $0x500  }
0x6c: {  	s23 =	smov.u32 s12;
	s21 =	sadd.s32 $0xFFFFFFFF, s8;
	_ =	swait.ge [sflag:s14], $0x500  }
.LBB2_10:
0x6d: {  	[sflag:s14] =	ssyncset.done $0x0;
	s23 =	sadd.s32 $0x28000, s23;
	p0 =	sne.s32 s21, $0x1  }
.Ltmp6:
0x6e: {  	s24 =	sshrl.u32 s23, $0x3;
	[sflag:s14] =	ssyncadd.s32 $0xFFFFFB00;
	(pc) =	sbr.rel @p0 .LBB2_10-.Ltmp6, $3  }
0x6f: {  	[hbm:s22], [sflag:s20] =	dma.local [spmem:s24], $0x500  }
0x70: {  	s21 =	sadd.s32 $0xFFFFFFFF, s21;
	_ =	sdelay $0x1  }
0x71: {  	s22 =	sadd.s32 $0x5000, s22;
	_ =	swait.ge [sflag:s14], $0x500  }
.LBB2_11:
0x72: {  	s5 =	sadd.s32 $0x1, s5  }
0x73: {  	p0 =	sne.s32 s5, s11  }
.Ltmp7:
0x74: {  	_ = 	snop;
	(pc) =	sbr.rel @p0 .LBB2_1-.Ltmp7, $3  }
0x75: {  	_ =	sdelay $0x1  }
0x76: {  	[sflag:s14] =	ssyncset.done $0x0  }
0x77: {  	[sflag:s14] =	ssyncadd.s32 $0xFFFFFB00  }
0x78: {  	_ =	sfence.sel $0x180000  }
0x79: {  	[bflag:$0x0] =	sbarrier.arrive $0xFFFF  }
0x7a: {  	p0 =	sne.s32 s6, $0x0;
	_ =	strace $0x90000047  }
0x7b: {  	s0 =	sadd.s32 @!p0 $0x100000, s0;
	[bflag:$0x2] =	sbarrier.arrive $0xFFFF  }
0x7c: {  	[sflag:s0] =	ssyncadd.tile.s32 @!p0 $0x1;
	_ =	shalt  }
.Lfunc_end2:
_tile_overlayer_lowered:
.L_overlay_start_2:
0x7d: {  	(tag) =	ssettag $0x2  }
0x7e: {  	s0 =	rddreg [dreg:$0x0];
	s2 =	stileid.u32  }
0x7f: {  	s1 =	rddreg [dreg:$0x1];
	p0 =	sne.s32 s2, $0x0  }
0x80: {  	s3 =	rddreg [dreg:$0x2];
	[bflag:$0x3] =	sbarrier.arrive $0xFFFF;
	s2 =	simm.s32 @!p0 $0x1C02  }
0x81: {  	[timem:s3], [sflag:s2] =	dma.local @!p0 [hbm:s0], s1  }
0x82: {  	s0 =	simm.s32 @!p0 $0x2  }
0x83: {  	_ =	swait.ge @!p0 [sflag:s0], s1  }
0x84: {  	s1 =	ssub.s32 @!p0 $0x0, s1;
	[sflag:s0] =	ssyncset.done @!p0 $0x0  }
0x85: {  	[sflag:s0] =	ssyncadd.s32 @!p0 s1  }
0x86: {  	[bflag:$0x3] =	sbarrier.arrive $0xFFFF  }
0x87: {  	_ =	shalt  }

</sc_bundles>
